<compile_context>
chip_gen: v7x
topology: tpu7x:2x2x1
jax: 0.10.2.dev20260603
libtpu: 0.0.44.dev20260713+nightly
codegen_flags: <defaults>
</compile_context>

<pallas_src>
import functools

import jax
import jax.numpy as jnp
from jax import lax
from jax.experimental import pallas as pl
from jax.experimental.pallas import tpu as pltpu
from jax.experimental.pallas import tpu_sc as plsc

NC = 2
NS = 16
L = 16
NW = NC * NS

B = 16384
D = 32
BPW = B // NW
GN = 8


def _body(uid_hbm, iid_hbm, utT_hbm, itT_hbm, out_hbm,
          uids_v, iids_v, ubufs, ibufs, out_v, sem):
    c = lax.axis_index("c")
    s = lax.axis_index("s")
    wid = s * NC + c

    pltpu.sync_copy(uid_hbm.at[wid], uids_v)
    pltpu.sync_copy(iid_hbm.at[wid], iids_v)

    lane = lax.broadcasted_iota(jnp.int32, (L,), 0)
    vq4 = lane & 3
    dgrp = lane >> 2

    def zero(ci, carry):
        out_v[pl.ds(ci * L, L)] = jnp.zeros((L,), jnp.float32)
        return carry

    lax.fori_loop(0, BPW // L, zero, 0)

    HG = 4
    NH = BPW // HG
    RING = GN // HG

    def fire_half(h):
        sb = lax.rem(h, RING) * HG
        gu = plsc.load_gather(uids_v, [h * HG + vq4])
        gi = plsc.load_gather(iids_v, [h * HG + vq4])
        jus = (gu >> 7) * 128
        jis = (gi >> 7) * 128
        for q in range(HG):
            pltpu.async_copy(
                utT_hbm.at[:, pl.ds(pl.multiple_of(jus[q], 128), 128)],
                ubufs.at[sb + q], sem)
            pltpu.async_copy(
                itT_hbm.at[:, pl.ds(pl.multiple_of(jis[q], 128), 128)],
                ibufs.at[sb + q], sem)

    def compute_half(h):
        base = h * HG
        sb = lax.rem(h, RING) * HG
        for q in range(2 * HG):
            pltpu.make_async_copy(
                utT_hbm.at[:, pl.ds(0, 128)], ubufs.at[0], sem).wait()
        gu = plsc.load_gather(uids_v, [base + vq4])
        gi = plsc.load_gather(iids_v, [base + vq4])
        cu = gu & 127
        ci = gi & 127
        slot = sb + vq4
        acc = jnp.zeros((L,), jnp.float32)
        for k in range(D // 4):
            dk = dgrp * (D // 4) + k
            au = plsc.load_gather(ubufs, [slot, dk, cu])
            ai = plsc.load_gather(ibufs, [slot, dk, ci])
            acc = acc + au * ai
        oidx = base + vq4
        for m in range(4):
            plsc.addupdate_scatter(out_v, [oidx], acc, mask=dgrp == m)

    fire_half(0)

    def half(h, carry):
        fire_half(h + 1)
        compute_half(h)
        return carry

    lax.fori_loop(0, NH - 1, half, 0)
    compute_half(NH - 1)

    pltpu.sync_copy(out_v, out_hbm.at[pl.ds(wid * BPW, BPW)])


def kernel(user_ids, item_ids, user_table, item_table):
    uid = user_ids.astype(jnp.int32).reshape(NW, BPW)
    iid = item_ids.astype(jnp.int32).reshape(NW, BPW)
    utT = user_table.T
    itT = item_table.T
    mesh = plsc.VectorSubcoreMesh(core_axis_name="c", subcore_axis_name="s")
    run = functools.partial(
        pl.kernel,
        mesh=mesh,
        compiler_params=pltpu.CompilerParams(needs_layout_passes=False),
        out_type=jax.ShapeDtypeStruct((B,), jnp.float32),
        scratch_types=[
            pltpu.VMEM((BPW,), jnp.int32),
            pltpu.VMEM((BPW,), jnp.int32),
            pltpu.VMEM((GN, D, 128), jnp.float32),
            pltpu.VMEM((GN, D, 128), jnp.float32),
            pltpu.VMEM((BPW,), jnp.float32),
            pltpu.SemaphoreType.DMA,
        ],
    )(_body)
    return run(uid, iid, utT, itT)

# --- scband reference (transcript-rebuilt; emitter-appended) ---
"""Pipeline reference for scband-matrix-factorization-model-57389353009499 (READ-ONLY COPY).

The authoritative reference and input builder live on the scoring server;
editing this copy changes nothing except your own understanding.
"""

import jax, jax.numpy as jnp
import numpy as np

NUM_USERS = 1000000
NUM_ITEMS = 1000000
EMBED_DIM = 32
BATCH = 16384

def setup_inputs(seed: int = 0) -> dict:
    key = jax.random.key(seed)
    k1, k2, k3, k4 = jax.random.split(key, 4)
    user_ids = jax.random.randint(k1, (BATCH,), 0, NUM_USERS, dtype=jnp.int64) if jax.config.jax_enable_x64 else jax.random.randint(k1, (BATCH,), 0, NUM_USERS, dtype=jnp.int32)
    item_ids = jax.random.randint(k2, (BATCH,), 0, NUM_ITEMS, dtype=jnp.int32)
    user_table = jax.random.normal(k3, (NUM_USERS, EMBED_DIM), dtype=jnp.float32)
    item_table = jax.random.normal(k4, (NUM_ITEMS, EMBED_DIM), dtype=jnp.float32)
    return {"user_ids": user_ids, "item_ids": item_ids, "user_table": user_table, "item_table": item_table}

def reference(user_ids, item_ids, user_table, item_table):
    user_embeds = jnp.take(user_table, user_ids, axis=0)
    item_embeds = jnp.take(item_table, item_ids, axis=0)
    return (user_embeds * item_embeds).sum(axis=1)

if __name__ == "__main__":
    import jax
    _d = setup_inputs()
    print(jax.jit(kernel)(*tuple(_d.values())))

</pallas_src>

<mosaic_0001>
#map = affine_map<(d0, d1) -> (0, 0)>
#map1 = affine_map<(d0, d1) -> (0)>
module attributes {stable_mosaic.version = 14 : i64} {
  func.func @_body(%arg0: i32, %arg1: i32, %arg2: memref<32x512xi32, #tpu.memory_space<hbm>>, %arg3: memref<32x512xi32, #tpu.memory_space<hbm>>, %arg4: memref<32x1000000xf32, #tpu.memory_space<hbm>>, %arg5: memref<32x1000000xf32, #tpu.memory_space<hbm>>, %arg6: memref<16384xf32, #tpu.memory_space<hbm>>, %arg7: memref<512xi32, #tpu.memory_space<vmem>>, %arg8: memref<512xi32, #tpu.memory_space<vmem>>, %arg9: memref<8x32x128xf32, #tpu.memory_space<vmem>>, %arg10: memref<8x32x128xf32, #tpu.memory_space<vmem>>, %arg11: memref<512xf32, #tpu.memory_space<vmem>>, %arg12: memref<!tpu.dma_semaphore, #tpu.memory_space<semaphore_mem>>) attributes {dimension_semantics = [#tpu.dimension_semantics<core_parallel>, #tpu.dimension_semantics<subcore_parallel>], iteration_bounds = array<i64: 2, 16>, scalar_prefetch = 0 : i64, scratch_operands = 6 : i64, tpu.core_type = #tpu.core_type<sc_vector_subcore>, window_params = [{transform_indices = #map}, {transform_indices = #map}, {transform_indices = #map}, {transform_indices = #map}, {transform_indices = #map1}]} {
    %mul3A = arith.constant 2 : i32
    %mul3A_0 = arith.muli %arg1, %mul3A : i32
    %add3A = arith.addi %mul3A_0, %arg0 : i32
    "tpu.region"() ({
      %run_scoped3A = tpu.sem_alloc : memref<!tpu.dma_semaphore, #tpu.memory_space<semaphore_mem>>
      %dma_start3A_408 = arith.constant 0 : i32
      %dma_start3A_409 = tpu.memref_slice %arg2[%add3A, %dma_start3A_408] : memref<32x512xi32, #tpu.memory_space<hbm>> -> memref<1x512xi32, #tpu.memory_space<hbm>>
      %dma_start3A_410 = tpu.memref_squeeze %dma_start3A_409 : memref<1x512xi32, #tpu.memory_space<hbm>> -> memref<512xi32, #tpu.memory_space<hbm>>
      %dma_start3A_411 = arith.constant 0 : i32
      %dma_start3A_412 = tpu.memref_slice %arg2[%add3A, %dma_start3A_411] : memref<32x512xi32, #tpu.memory_space<hbm>> -> memref<1x512xi32, #tpu.memory_space<hbm>>
      %dma_start3A_413 = tpu.memref_squeeze %dma_start3A_412 : memref<1x512xi32, #tpu.memory_space<hbm>> -> memref<512xi32, #tpu.memory_space<hbm>>
      tpu.enqueue_dma source(%dma_start3A_413 : memref<512xi32, #tpu.memory_space<hbm>>) target(%arg7 : memref<512xi32, #tpu.memory_space<vmem>>) target_semaphore(%run_scoped3A : memref<!tpu.dma_semaphore, #tpu.memory_space<semaphore_mem>>)
      %dma_wait3A_414 = arith.constant 0 : i32
      %dma_wait3A_415 = tpu.memref_slice %arg2[%add3A, %dma_wait3A_414] : memref<32x512xi32, #tpu.memory_space<hbm>> -> memref<1x512xi32, #tpu.memory_space<hbm>>
      %dma_wait3A_416 = tpu.memref_squeeze %dma_wait3A_415 : memref<1x512xi32, #tpu.memory_space<hbm>> -> memref<512xi32, #tpu.memory_space<hbm>>
      %dma_wait3A_417 = arith.constant 0 : i32
      %dma_wait3A_418 = tpu.memref_slice %arg2[%add3A, %dma_wait3A_417] : memref<32x512xi32, #tpu.memory_space<hbm>> -> memref<1x512xi32, #tpu.memory_space<hbm>>
      %dma_wait3A_419 = tpu.memref_squeeze %dma_wait3A_418 : memref<1x512xi32, #tpu.memory_space<hbm>> -> memref<512xi32, #tpu.memory_space<hbm>>
      tpu.wait_dma2 semaphore(%run_scoped3A : memref<!tpu.dma_semaphore, #tpu.memory_space<semaphore_mem>>) src(%dma_wait3A_419 : memref<512xi32, #tpu.memory_space<hbm>>) dst(%arg7 : memref<512xi32, #tpu.memory_space<vmem>>)
      tpu.yield
    }) : () -> ()
    "tpu.region"() ({
      %run_scoped3A = tpu.sem_alloc : memref<!tpu.dma_semaphore, #tpu.memory_space<semaphore_mem>>
      %dma_start3A_408 = arith.constant 0 : i32
      %dma_start3A_409 = tpu.memref_slice %arg3[%add3A, %dma_start3A_408] : memref<32x512xi32, #tpu.memory_space<hbm>> -> memref<1x512xi32, #tpu.memory_space<hbm>>
      %dma_start3A_410 = tpu.memref_squeeze %dma_start3A_409 : memref<1x512xi32, #tpu.memory_space<hbm>> -> memref<512xi32, #tpu.memory_space<hbm>>
      %dma_start3A_411 = arith.constant 0 : i32
      %dma_start3A_412 = tpu.memref_slice %arg3[%add3A, %dma_start3A_411] : memref<32x512xi32, #tpu.memory_space<hbm>> -> memref<1x512xi32, #tpu.memory_space<hbm>>
      %dma_start3A_413 = tpu.memref_squeeze %dma_start3A_412 : memref<1x512xi32, #tpu.memory_space<hbm>> -> memref<512xi32, #tpu.memory_space<hbm>>
      tpu.enqueue_dma source(%dma_start3A_413 : memref<512xi32, #tpu.memory_space<hbm>>) target(%arg8 : memref<512xi32, #tpu.memory_space<vmem>>) target_semaphore(%run_scoped3A : memref<!tpu.dma_semaphore, #tpu.memory_space<semaphore_mem>>)
      %dma_wait3A_414 = arith.constant 0 : i32
      %dma_wait3A_415 = tpu.memref_slice %arg3[%add3A, %dma_wait3A_414] : memref<32x512xi32, #tpu.memory_space<hbm>> -> memref<1x512xi32, #tpu.memory_space<hbm>>
      %dma_wait3A_416 = tpu.memref_squeeze %dma_wait3A_415 : memref<1x512xi32, #tpu.memory_space<hbm>> -> memref<512xi32, #tpu.memory_space<hbm>>
      %dma_wait3A_417 = arith.constant 0 : i32
      %dma_wait3A_418 = tpu.memref_slice %arg3[%add3A, %dma_wait3A_417] : memref<32x512xi32, #tpu.memory_space<hbm>> -> memref<1x512xi32, #tpu.memory_space<hbm>>
      %dma_wait3A_419 = tpu.memref_squeeze %dma_wait3A_418 : memref<1x512xi32, #tpu.memory_space<hbm>> -> memref<512xi32, #tpu.memory_space<hbm>>
      tpu.wait_dma2 semaphore(%run_scoped3A : memref<!tpu.dma_semaphore, #tpu.memory_space<semaphore_mem>>) src(%dma_wait3A_419 : memref<512xi32, #tpu.memory_space<hbm>>) dst(%arg8 : memref<512xi32, #tpu.memory_space<vmem>>)
      tpu.yield
    }) : () -> ()
    %iota3A = tpu.iota {dimensions = array<i32: 0>} : vector<16xi32>
    %and3A = arith.constant 3 : i32
    %and3A_1 = vector.broadcast %and3A : i32 to vector<16xi32>
    %and3A_2 = arith.andi %iota3A, %and3A_1 : vector<16xi32>
    %shift_right_arithmetic3A = arith.constant 2 : i32
    %shift_right_arithmetic3A_3 = vector.broadcast %shift_right_arithmetic3A : i32 to vector<16xi32>
    %shift_right_arithmetic3A_4 = arith.shrsi %iota3A, %shift_right_arithmetic3A_3 : vector<16xi32>
    %scan3A = arith.constant 0 : i32
    %scan3A_5 = arith.constant 0 : i32
    %scan3A_6 = arith.constant 32 : i32
    %scan3A_7 = arith.addi %scan3A_5, %scan3A_6 : i32
    %scan3A_8 = arith.constant 1 : i32
    scf.for %scan3A_408 = %scan3A_5 to %scan3A_7 step %scan3A_8  : i32 {
      %broadcast_in_dim3A_409 = arith.constant 0.000000e+00 : f32
      %broadcast_in_dim3A_410 = vector.broadcast %broadcast_in_dim3A_409 : f32 to vector<16xf32>
      %mul3A_411 = arith.constant 16 : i32
      %mul3A_412 = arith.muli %scan3A_408, %mul3A_411 : i32
      %swap3A = arith.index_cast %mul3A_412 : i32 to index
      %swap3A_413 = tpu.vector_load %arg11[%swap3A] {strides = array<i32>} : memref<512xf32, #tpu.memory_space<vmem>>, vector<16xf32>,
      tpu.vector_store %arg11[%swap3A], %broadcast_in_dim3A_410 {strides = array<i32>} : memref<512xf32, #tpu.memory_space<vmem>>, vector<16xf32>,
    }
    %scan3A_9 = arith.constant 32 : i32
    %rem3A = arith.constant 0 : i32
    %rem3A_10 = arith.constant 2 : i32
    %rem3A_11 = arith.remsi %rem3A, %rem3A_10 : i32
    %mul3A_12 = arith.constant 4 : i32
    %mul3A_13 = arith.muli %rem3A_11, %mul3A_12 : i32
    %add3A_14 = arith.constant 0 : i32
    %add3A_15 = vector.broadcast %add3A_14 : i32 to vector<16xi32>
    %add3A_16 = arith.addi %add3A_15, %and3A_2 : vector<16xi32>
    %gather3A = tpu.vector_load_idx %arg7[%add3A_16] : memref<512xi32, #tpu.memory_space<vmem>>[vector<16xi32>], vector<16xi32>,
    %add3A_17 = arith.constant 0 : i32
    %add3A_18 = vector.broadcast %add3A_17 : i32 to vector<16xi32>
    %add3A_19 = arith.addi %add3A_18, %and3A_2 : vector<16xi32>
    %gather3A_20 = tpu.vector_load_idx %arg8[%add3A_19] : memref<512xi32, #tpu.memory_space<vmem>>[vector<16xi32>], vector<16xi32>,
    %shift_right_arithmetic3A_21 = arith.constant 7 : i32
    %shift_right_arithmetic3A_22 = vector.broadcast %shift_right_arithmetic3A_21 : i32 to vector<16xi32>
    %shift_right_arithmetic3A_23 = arith.shrsi %gather3A, %shift_right_arithmetic3A_22 : vector<16xi32>
    %mul3A_24 = arith.constant 128 : i32
    %mul3A_25 = vector.broadcast %mul3A_24 : i32 to vector<16xi32>
    %mul3A_26 = arith.muli %shift_right_arithmetic3A_23, %mul3A_25 : vector<16xi32>
    %shift_right_arithmetic3A_27 = arith.constant 7 : i32
    %shift_right_arithmetic3A_28 = vector.broadcast %shift_right_arithmetic3A_27 : i32 to vector<16xi32>
    %shift_right_arithmetic3A_29 = arith.shrsi %gather3A_20, %shift_right_arithmetic3A_28 : vector<16xi32>
    %mul3A_30 = arith.constant 128 : i32
    %mul3A_31 = vector.broadcast %mul3A_30 : i32 to vector<16xi32>
    %mul3A_32 = arith.muli %shift_right_arithmetic3A_29, %mul3A_31 : vector<16xi32>
    %slice3A = vector.extract_strided_slice %mul3A_26 {offsets = [0], sizes = [1], strides = [1]} : vector<16xi32> to vector<1xi32>
    %squeeze3A = vector.extract %slice3A[0] : i32 from vector<1xi32>
    %multiple_of3A = tpu.assume_multiple %squeeze3A, 128 : i32
    %add3A_33 = arith.constant 0 : i32
    %add3A_34 = arith.addi %mul3A_13, %add3A_33 : i32
    %dma_start3A = arith.constant 0 : i32
    %dma_start3A_35 = arith.constant 0 : i32
    %dma_start3A_36 = tpu.memref_slice %arg9[%add3A_34, %dma_start3A, %dma_start3A_35] : memref<8x32x128xf32, #tpu.memory_space<vmem>> -> memref<1x32x128xf32, #tpu.memory_space<vmem>>
    %dma_start3A_37 = tpu.memref_squeeze %dma_start3A_36 : memref<1x32x128xf32, #tpu.memory_space<vmem>> -> memref<32x128xf32, #tpu.memory_space<vmem>>
    %dma_start3A_38 = arith.constant 0 : i32
    %dma_start3A_39 = tpu.memref_slice %arg4[%dma_start3A_38, %multiple_of3A] : memref<32x1000000xf32, #tpu.memory_space<hbm>> -> memref<32x128xf32, #tpu.memory_space<hbm>>
    %dma_start3A_40 = arith.constant 0 : i32
    %dma_start3A_41 = arith.constant 0 : i32
    %dma_start3A_42 = tpu.memref_slice %arg9[%add3A_34, %dma_start3A_40, %dma_start3A_41] : memref<8x32x128xf32, #tpu.memory_space<vmem>> -> memref<1x32x128xf32, #tpu.memory_space<vmem>>
    %dma_start3A_43 = tpu.memref_squeeze %dma_start3A_42 : memref<1x32x128xf32, #tpu.memory_space<vmem>> -> memref<32x128xf32, #tpu.memory_space<vmem>>
    %dma_start3A_44 = arith.constant 0 : i32
    %dma_start3A_45 = tpu.memref_slice %arg4[%dma_start3A_44, %multiple_of3A] : memref<32x1000000xf32, #tpu.memory_space<hbm>> -> memref<32x128xf32, #tpu.memory_space<hbm>>
    tpu.enqueue_dma source(%dma_start3A_45 : memref<32x128xf32, #tpu.memory_space<hbm>>) target(%dma_start3A_43 : memref<32x128xf32, #tpu.memory_space<vmem>>) target_semaphore(%arg12 : memref<!tpu.dma_semaphore, #tpu.memory_space<semaphore_mem>>)
    %slice3A_46 = vector.extract_strided_slice %mul3A_32 {offsets = [0], sizes = [1], strides = [1]} : vector<16xi32> to vector<1xi32>
    %squeeze3A_47 = vector.extract %slice3A_46[0] : i32 from vector<1xi32>
    %multiple_of3A_48 = tpu.assume_multiple %squeeze3A_47, 128 : i32
    %add3A_49 = arith.constant 0 : i32
    %add3A_50 = arith.addi %mul3A_13, %add3A_49 : i32
    %dma_start3A_51 = arith.constant 0 : i32
    %dma_start3A_52 = arith.constant 0 : i32
    %dma_start3A_53 = tpu.memref_slice %arg10[%add3A_50, %dma_start3A_51, %dma_start3A_52] : memref<8x32x128xf32, #tpu.memory_space<vmem>> -> memref<1x32x128xf32, #tpu.memory_space<vmem>>
    %dma_start3A_54 = tpu.memref_squeeze %dma_start3A_53 : memref<1x32x128xf32, #tpu.memory_space<vmem>> -> memref<32x128xf32, #tpu.memory_space<vmem>>
    %dma_start3A_55 = arith.constant 0 : i32
    %dma_start3A_56 = tpu.memref_slice %arg5[%dma_start3A_55, %multiple_of3A_48] : memref<32x1000000xf32, #tpu.memory_space<hbm>> -> memref<32x128xf32, #tpu.memory_space<hbm>>
    %dma_start3A_57 = arith.constant 0 : i32
    %dma_start3A_58 = arith.constant 0 : i32
    %dma_start3A_59 = tpu.memref_slice %arg10[%add3A_50, %dma_start3A_57, %dma_start3A_58] : memref<8x32x128xf32, #tpu.memory_space<vmem>> -> memref<1x32x128xf32, #tpu.memory_space<vmem>>
    %dma_start3A_60 = tpu.memref_squeeze %dma_start3A_59 : memref<1x32x128xf32, #tpu.memory_space<vmem>> -> memref<32x128xf32, #tpu.memory_space<vmem>>
    %dma_start3A_61 = arith.constant 0 : i32
    %dma_start3A_62 = tpu.memref_slice %arg5[%dma_start3A_61, %multiple_of3A_48] : memref<32x1000000xf32, #tpu.memory_space<hbm>> -> memref<32x128xf32, #tpu.memory_space<hbm>>
    tpu.enqueue_dma source(%dma_start3A_62 : memref<32x128xf32, #tpu.memory_space<hbm>>) target(%dma_start3A_60 : memref<32x128xf32, #tpu.memory_space<vmem>>) target_semaphore(%arg12 : memref<!tpu.dma_semaphore, #tpu.memory_space<semaphore_mem>>)
    %slice3A_63 = vector.extract_strided_slice %mul3A_26 {offsets = [1], sizes = [1], strides = [1]} : vector<16xi32> to vector<1xi32>
    %squeeze3A_64 = vector.extract %slice3A_63[0] : i32 from vector<1xi32>
    %multiple_of3A_65 = tpu.assume_multiple %squeeze3A_64, 128 : i32
    %add3A_66 = arith.constant 1 : i32
    %add3A_67 = arith.addi %mul3A_13, %add3A_66 : i32
    %dma_start3A_68 = arith.constant 0 : i32
    %dma_start3A_69 = arith.constant 0 : i32
    %dma_start3A_70 = tpu.memref_slice %arg9[%add3A_67, %dma_start3A_68, %dma_start3A_69] : memref<8x32x128xf32, #tpu.memory_space<vmem>> -> memref<1x32x128xf32, #tpu.memory_space<vmem>>
    %dma_start3A_71 = tpu.memref_squeeze %dma_start3A_70 : memref<1x32x128xf32, #tpu.memory_space<vmem>> -> memref<32x128xf32, #tpu.memory_space<vmem>>
    %dma_start3A_72 = arith.constant 0 : i32
    %dma_start3A_73 = tpu.memref_slice %arg4[%dma_start3A_72, %multiple_of3A_65] : memref<32x1000000xf32, #tpu.memory_space<hbm>> -> memref<32x128xf32, #tpu.memory_space<hbm>>
    %dma_start3A_74 = arith.constant 0 : i32
    %dma_start3A_75 = arith.constant 0 : i32
    %dma_start3A_76 = tpu.memref_slice %arg9[%add3A_67, %dma_start3A_74, %dma_start3A_75] : memref<8x32x128xf32, #tpu.memory_space<vmem>> -> memref<1x32x128xf32, #tpu.memory_space<vmem>>
    %dma_start3A_77 = tpu.memref_squeeze %dma_start3A_76 : memref<1x32x128xf32, #tpu.memory_space<vmem>> -> memref<32x128xf32, #tpu.memory_space<vmem>>
    %dma_start3A_78 = arith.constant 0 : i32
    %dma_start3A_79 = tpu.memref_slice %arg4[%dma_start3A_78, %multiple_of3A_65] : memref<32x1000000xf32, #tpu.memory_space<hbm>> -> memref<32x128xf32, #tpu.memory_space<hbm>>
    tpu.enqueue_dma source(%dma_start3A_79 : memref<32x128xf32, #tpu.memory_space<hbm>>) target(%dma_start3A_77 : memref<32x128xf32, #tpu.memory_space<vmem>>) target_semaphore(%arg12 : memref<!tpu.dma_semaphore, #tpu.memory_space<semaphore_mem>>)
    %slice3A_80 = vector.extract_strided_slice %mul3A_32 {offsets = [1], sizes = [1], strides = [1]} : vector<16xi32> to vector<1xi32>
    %squeeze3A_81 = vector.extract %slice3A_80[0] : i32 from vector<1xi32>
    %multiple_of3A_82 = tpu.assume_multiple %squeeze3A_81, 128 : i32
    %add3A_83 = arith.constant 1 : i32
    %add3A_84 = arith.addi %mul3A_13, %add3A_83 : i32
    %dma_start3A_85 = arith.constant 0 : i32
    %dma_start3A_86 = arith.constant 0 : i32
    %dma_start3A_87 = tpu.memref_slice %arg10[%add3A_84, %dma_start3A_85, %dma_start3A_86] : memref<8x32x128xf32, #tpu.memory_space<vmem>> -> memref<1x32x128xf32, #tpu.memory_space<vmem>>
    %dma_start3A_88 = tpu.memref_squeeze %dma_start3A_87 : memref<1x32x128xf32, #tpu.memory_space<vmem>> -> memref<32x128xf32, #tpu.memory_space<vmem>>
    %dma_start3A_89 = arith.constant 0 : i32
    %dma_start3A_90 = tpu.memref_slice %arg5[%dma_start3A_89, %multiple_of3A_82] : memref<32x1000000xf32, #tpu.memory_space<hbm>> -> memref<32x128xf32, #tpu.memory_space<hbm>>
    %dma_start3A_91 = arith.constant 0 : i32
    %dma_start3A_92 = arith.constant 0 : i32
    %dma_start3A_93 = tpu.memref_slice %arg10[%add3A_84, %dma_start3A_91, %dma_start3A_92] : memref<8x32x128xf32, #tpu.memory_space<vmem>> -> memref<1x32x128xf32, #tpu.memory_space<vmem>>
    %dma_start3A_94 = tpu.memref_squeeze %dma_start3A_93 : memref<1x32x128xf32, #tpu.memory_space<vmem>> -> memref<32x128xf32, #tpu.memory_space<vmem>>
    %dma_start3A_95 = arith.constant 0 : i32
    %dma_start3A_96 = tpu.memref_slice %arg5[%dma_start3A_95, %multiple_of3A_82] : memref<32x1000000xf32, #tpu.memory_space<hbm>> -> memref<32x128xf32, #tpu.memory_space<hbm>>
    tpu.enqueue_dma source(%dma_start3A_96 : memref<32x128xf32, #tpu.memory_space<hbm>>) target(%dma_start3A_94 : memref<32x128xf32, #tpu.memory_space<vmem>>) target_semaphore(%arg12 : memref<!tpu.dma_semaphore, #tpu.memory_space<semaphore_mem>>)
    %slice3A_97 = vector.extract_strided_slice %mul3A_26 {offsets = [2], sizes = [1], strides = [1]} : vector<16xi32> to vector<1xi32>
    %squeeze3A_98 = vector.extract %slice3A_97[0] : i32 from vector<1xi32>
    %multiple_of3A_99 = tpu.assume_multiple %squeeze3A_98, 128 : i32
    %add3A_100 = arith.constant 2 : i32
    %add3A_101 = arith.addi %mul3A_13, %add3A_100 : i32
    %dma_start3A_102 = arith.constant 0 : i32
    %dma_start3A_103 = arith.constant 0 : i32
    %dma_start3A_104 = tpu.memref_slice %arg9[%add3A_101, %dma_start3A_102, %dma_start3A_103] : memref<8x32x128xf32, #tpu.memory_space<vmem>> -> memref<1x32x128xf32, #tpu.memory_space<vmem>>
    %dma_start3A_105 = tpu.memref_squeeze %dma_start3A_104 : memref<1x32x128xf32, #tpu.memory_space<vmem>> -> memref<32x128xf32, #tpu.memory_space<vmem>>
    %dma_start3A_106 = arith.constant 0 : i32
    %dma_start3A_107 = tpu.memref_slice %arg4[%dma_start3A_106, %multiple_of3A_99] : memref<32x1000000xf32, #tpu.memory_space<hbm>> -> memref<32x128xf32, #tpu.memory_space<hbm>>
    %dma_start3A_108 = arith.constant 0 : i32
    %dma_start3A_109 = arith.constant 0 : i32
    %dma_start3A_110 = tpu.memref_slice %arg9[%add3A_101, %dma_start3A_108, %dma_start3A_109] : memref<8x32x128xf32, #tpu.memory_space<vmem>> -> memref<1x32x128xf32, #tpu.memory_space<vmem>>
    %dma_start3A_111 = tpu.memref_squeeze %dma_start3A_110 : memref<1x32x128xf32, #tpu.memory_space<vmem>> -> memref<32x128xf32, #tpu.memory_space<vmem>>
    %dma_start3A_112 = arith.constant 0 : i32
    %dma_start3A_113 = tpu.memref_slice %arg4[%dma_start3A_112, %multiple_of3A_99] : memref<32x1000000xf32, #tpu.memory_space<hbm>> -> memref<32x128xf32, #tpu.memory_space<hbm>>
    tpu.enqueue_dma source(%dma_start3A_113 : memref<32x128xf32, #tpu.memory_space<hbm>>) target(%dma_start3A_111 : memref<32x128xf32, #tpu.memory_space<vmem>>) target_semaphore(%arg12 : memref<!tpu.dma_semaphore, #tpu.memory_space<semaphore_mem>>)
    %slice3A_114 = vector.extract_strided_slice %mul3A_32 {offsets = [2], sizes = [1], strides = [1]} : vector<16xi32> to vector<1xi32>
    %squeeze3A_115 = vector.extract %slice3A_114[0] : i32 from vector<1xi32>
    %multiple_of3A_116 = tpu.assume_multiple %squeeze3A_115, 128 : i32
    %add3A_117 = arith.constant 2 : i32
    %add3A_118 = arith.addi %mul3A_13, %add3A_117 : i32
    %dma_start3A_119 = arith.constant 0 : i32
    %dma_start3A_120 = arith.constant 0 : i32
    %dma_start3A_121 = tpu.memref_slice %arg10[%add3A_118, %dma_start3A_119, %dma_start3A_120] : memref<8x32x128xf32, #tpu.memory_space<vmem>> -> memref<1x32x128xf32, #tpu.memory_space<vmem>>
    %dma_start3A_122 = tpu.memref_squeeze %dma_start3A_121 : memref<1x32x128xf32, #tpu.memory_space<vmem>> -> memref<32x128xf32, #tpu.memory_space<vmem>>
    %dma_start3A_123 = arith.constant 0 : i32
    %dma_start3A_124 = tpu.memref_slice %arg5[%dma_start3A_123, %multiple_of3A_116] : memref<32x1000000xf32, #tpu.memory_space<hbm>> -> memref<32x128xf32, #tpu.memory_space<hbm>>
    %dma_start3A_125 = arith.constant 0 : i32
    %dma_start3A_126 = arith.constant 0 : i32
    %dma_start3A_127 = tpu.memref_slice %arg10[%add3A_118, %dma_start3A_125, %dma_start3A_126] : memref<8x32x128xf32, #tpu.memory_space<vmem>> -> memref<1x32x128xf32, #tpu.memory_space<vmem>>
    %dma_start3A_128 = tpu.memref_squeeze %dma_start3A_127 : memref<1x32x128xf32, #tpu.memory_space<vmem>> -> memref<32x128xf32, #tpu.memory_space<vmem>>
    %dma_start3A_129 = arith.constant 0 : i32
    %dma_start3A_130 = tpu.memref_slice %arg5[%dma_start3A_129, %multiple_of3A_116] : memref<32x1000000xf32, #tpu.memory_space<hbm>> -> memref<32x128xf32, #tpu.memory_space<hbm>>
    tpu.enqueue_dma source(%dma_start3A_130 : memref<32x128xf32, #tpu.memory_space<hbm>>) target(%dma_start3A_128 : memref<32x128xf32, #tpu.memory_space<vmem>>) target_semaphore(%arg12 : memref<!tpu.dma_semaphore, #tpu.memory_space<semaphore_mem>>)
    %slice3A_131 = vector.extract_strided_slice %mul3A_26 {offsets = [3], sizes = [1], strides = [1]} : vector<16xi32> to vector<1xi32>
    %squeeze3A_132 = vector.extract %slice3A_131[0] : i32 from vector<1xi32>
    %multiple_of3A_133 = tpu.assume_multiple %squeeze3A_132, 128 : i32
    %add3A_134 = arith.constant 3 : i32
    %add3A_135 = arith.addi %mul3A_13, %add3A_134 : i32
    %dma_start3A_136 = arith.constant 0 : i32
    %dma_start3A_137 = arith.constant 0 : i32
    %dma_start3A_138 = tpu.memref_slice %arg9[%add3A_135, %dma_start3A_136, %dma_start3A_137] : memref<8x32x128xf32, #tpu.memory_space<vmem>> -> memref<1x32x128xf32, #tpu.memory_space<vmem>>
    %dma_start3A_139 = tpu.memref_squeeze %dma_start3A_138 : memref<1x32x128xf32, #tpu.memory_space<vmem>> -> memref<32x128xf32, #tpu.memory_space<vmem>>
    %dma_start3A_140 = arith.constant 0 : i32
    %dma_start3A_141 = tpu.memref_slice %arg4[%dma_start3A_140, %multiple_of3A_133] : memref<32x1000000xf32, #tpu.memory_space<hbm>> -> memref<32x128xf32, #tpu.memory_space<hbm>>
    %dma_start3A_142 = arith.constant 0 : i32
    %dma_start3A_143 = arith.constant 0 : i32
    %dma_start3A_144 = tpu.memref_slice %arg9[%add3A_135, %dma_start3A_142, %dma_start3A_143] : memref<8x32x128xf32, #tpu.memory_space<vmem>> -> memref<1x32x128xf32, #tpu.memory_space<vmem>>
    %dma_start3A_145 = tpu.memref_squeeze %dma_start3A_144 : memref<1x32x128xf32, #tpu.memory_space<vmem>> -> memref<32x128xf32, #tpu.memory_space<vmem>>
    %dma_start3A_146 = arith.constant 0 : i32
    %dma_start3A_147 = tpu.memref_slice %arg4[%dma_start3A_146, %multiple_of3A_133] : memref<32x1000000xf32, #tpu.memory_space<hbm>> -> memref<32x128xf32, #tpu.memory_space<hbm>>
    tpu.enqueue_dma source(%dma_start3A_147 : memref<32x128xf32, #tpu.memory_space<hbm>>) target(%dma_start3A_145 : memref<32x128xf32, #tpu.memory_space<vmem>>) target_semaphore(%arg12 : memref<!tpu.dma_semaphore, #tpu.memory_space<semaphore_mem>>)
    %slice3A_148 = vector.extract_strided_slice %mul3A_32 {offsets = [3], sizes = [1], strides = [1]} : vector<16xi32> to vector<1xi32>
    %squeeze3A_149 = vector.extract %slice3A_148[0] : i32 from vector<1xi32>
    %multiple_of3A_150 = tpu.assume_multiple %squeeze3A_149, 128 : i32
    %add3A_151 = arith.constant 3 : i32
    %add3A_152 = arith.addi %mul3A_13, %add3A_151 : i32
    %dma_start3A_153 = arith.constant 0 : i32
    %dma_start3A_154 = arith.constant 0 : i32
    %dma_start3A_155 = tpu.memref_slice %arg10[%add3A_152, %dma_start3A_153, %dma_start3A_154] : memref<8x32x128xf32, #tpu.memory_space<vmem>> -> memref<1x32x128xf32, #tpu.memory_space<vmem>>
    %dma_start3A_156 = tpu.memref_squeeze %dma_start3A_155 : memref<1x32x128xf32, #tpu.memory_space<vmem>> -> memref<32x128xf32, #tpu.memory_space<vmem>>
    %dma_start3A_157 = arith.constant 0 : i32
    %dma_start3A_158 = tpu.memref_slice %arg5[%dma_start3A_157, %multiple_of3A_150] : memref<32x1000000xf32, #tpu.memory_space<hbm>> -> memref<32x128xf32, #tpu.memory_space<hbm>>
    %dma_start3A_159 = arith.constant 0 : i32
    %dma_start3A_160 = arith.constant 0 : i32
    %dma_start3A_161 = tpu.memref_slice %arg10[%add3A_152, %dma_start3A_159, %dma_start3A_160] : memref<8x32x128xf32, #tpu.memory_space<vmem>> -> memref<1x32x128xf32, #tpu.memory_space<vmem>>
    %dma_start3A_162 = tpu.memref_squeeze %dma_start3A_161 : memref<1x32x128xf32, #tpu.memory_space<vmem>> -> memref<32x128xf32, #tpu.memory_space<vmem>>
    %dma_start3A_163 = arith.constant 0 : i32
    %dma_start3A_164 = tpu.memref_slice %arg5[%dma_start3A_163, %multiple_of3A_150] : memref<32x1000000xf32, #tpu.memory_space<hbm>> -> memref<32x128xf32, #tpu.memory_space<hbm>>
    tpu.enqueue_dma source(%dma_start3A_164 : memref<32x128xf32, #tpu.memory_space<hbm>>) target(%dma_start3A_162 : memref<32x128xf32, #tpu.memory_space<vmem>>) target_semaphore(%arg12 : memref<!tpu.dma_semaphore, #tpu.memory_space<semaphore_mem>>)
    %scan3A_165 = arith.constant 0 : i32
    %scan3A_166 = arith.constant 0 : i32
    %scan3A_167 = arith.constant 127 : i32
    %scan3A_168 = arith.addi %scan3A_166, %scan3A_167 : i32
    %scan3A_169 = arith.constant 1 : i32
    scf.for %scan3A_408 = %scan3A_166 to %scan3A_168 step %scan3A_169  : i32 {
      %add3A_409 = arith.constant 1 : i32
      %add3A_410 = arith.addi %scan3A_408, %add3A_409 : i32
      %rem3A_411 = arith.constant 2 : i32
      %rem3A_412 = arith.remsi %add3A_410, %rem3A_411 : i32
      %mul3A_413 = arith.constant 4 : i32
      %mul3A_414 = arith.muli %rem3A_412, %mul3A_413 : i32
      %mul3A_415 = arith.constant 4 : i32
      %mul3A_416 = arith.muli %add3A_410, %mul3A_415 : i32
      %add3A_417 = vector.broadcast %mul3A_416 : i32 to vector<16xi32>
      %add3A_418 = arith.addi %add3A_417, %and3A_2 : vector<16xi32>
      %gather3A_419 = tpu.vector_load_idx %arg7[%add3A_418] : memref<512xi32, #tpu.memory_space<vmem>>[vector<16xi32>], vector<16xi32>,
      %mul3A_420 = arith.constant 4 : i32
      %mul3A_421 = arith.muli %add3A_410, %mul3A_420 : i32
      %add3A_422 = vector.broadcast %mul3A_421 : i32 to vector<16xi32>
      %add3A_423 = arith.addi %add3A_422, %and3A_2 : vector<16xi32>
      %gather3A_424 = tpu.vector_load_idx %arg8[%add3A_423] : memref<512xi32, #tpu.memory_space<vmem>>[vector<16xi32>], vector<16xi32>,
      %shift_right_arithmetic3A_425 = arith.constant 7 : i32
      %shift_right_arithmetic3A_426 = vector.broadcast %shift_right_arithmetic3A_425 : i32 to vector<16xi32>
      %shift_right_arithmetic3A_427 = arith.shrsi %gather3A_419, %shift_right_arithmetic3A_426 : vector<16xi32>
      %mul3A_428 = arith.constant 128 : i32
      %mul3A_429 = vector.broadcast %mul3A_428 : i32 to vector<16xi32>
      %mul3A_430 = arith.muli %shift_right_arithmetic3A_427, %mul3A_429 : vector<16xi32>
      %shift_right_arithmetic3A_431 = arith.constant 7 : i32
      %shift_right_arithmetic3A_432 = vector.broadcast %shift_right_arithmetic3A_431 : i32 to vector<16xi32>
      %shift_right_arithmetic3A_433 = arith.shrsi %gather3A_424, %shift_right_arithmetic3A_432 : vector<16xi32>
      %mul3A_434 = arith.constant 128 : i32
      %mul3A_435 = vector.broadcast %mul3A_434 : i32 to vector<16xi32>
      %mul3A_436 = arith.muli %shift_right_arithmetic3A_433, %mul3A_435 : vector<16xi32>
      %slice3A_437 = vector.extract_strided_slice %mul3A_430 {offsets = [0], sizes = [1], strides = [1]} : vector<16xi32> to vector<1xi32>
      %squeeze3A_438 = vector.extract %slice3A_437[0] : i32 from vector<1xi32>
      %multiple_of3A_439 = tpu.assume_multiple %squeeze3A_438, 128 : i32
      %add3A_440 = arith.constant 0 : i32
      %add3A_441 = arith.addi %mul3A_414, %add3A_440 : i32
      %dma_start3A_442 = arith.constant 0 : i32
      %dma_start3A_443 = arith.constant 0 : i32
      %dma_start3A_444 = tpu.memref_slice %arg9[%add3A_441, %dma_start3A_442, %dma_start3A_443] : memref<8x32x128xf32, #tpu.memory_space<vmem>> -> memref<1x32x128xf32, #tpu.memory_space<vmem>>
      %dma_start3A_445 = tpu.memref_squeeze %dma_start3A_444 : memref<1x32x128xf32, #tpu.memory_space<vmem>> -> memref<32x128xf32, #tpu.memory_space<vmem>>
      %dma_start3A_446 = arith.constant 0 : i32
      %dma_start3A_447 = tpu.memref_slice %arg4[%dma_start3A_446, %multiple_of3A_439] : memref<32x1000000xf32, #tpu.memory_space<hbm>> -> memref<32x128xf32, #tpu.memory_space<hbm>>
      %dma_start3A_448 = arith.constant 0 : i32
      %dma_start3A_449 = arith.constant 0 : i32
      %dma_start3A_450 = tpu.memref_slice %arg9[%add3A_441, %dma_start3A_448, %dma_start3A_449] : memref<8x32x128xf32, #tpu.memory_space<vmem>> -> memref<1x32x128xf32, #tpu.memory_space<vmem>>
      %dma_start3A_451 = tpu.memref_squeeze %dma_start3A_450 : memref<1x32x128xf32, #tpu.memory_space<vmem>> -> memref<32x128xf32, #tpu.memory_space<vmem>>
      %dma_start3A_452 = arith.constant 0 : i32
      %dma_start3A_453 = tpu.memref_slice %arg4[%dma_start3A_452, %multiple_of3A_439] : memref<32x1000000xf32, #tpu.memory_space<hbm>> -> memref<32x128xf32, #tpu.memory_space<hbm>>
      tpu.enqueue_dma source(%dma_start3A_453 : memref<32x128xf32, #tpu.memory_space<hbm>>) target(%dma_start3A_451 : memref<32x128xf32, #tpu.memory_space<vmem>>) target_semaphore(%arg12 : memref<!tpu.dma_semaphore, #tpu.memory_space<semaphore_mem>>)
      %slice3A_454 = vector.extract_strided_slice %mul3A_436 {offsets = [0], sizes = [1], strides = [1]} : vector<16xi32> to vector<1xi32>
      %squeeze3A_455 = vector.extract %slice3A_454[0] : i32 from vector<1xi32>
      %multiple_of3A_456 = tpu.assume_multiple %squeeze3A_455, 128 : i32
      %add3A_457 = arith.constant 0 : i32
      %add3A_458 = arith.addi %mul3A_414, %add3A_457 : i32
      %dma_start3A_459 = arith.constant 0 : i32
      %dma_start3A_460 = arith.constant 0 : i32
      %dma_start3A_461 = tpu.memref_slice %arg10[%add3A_458, %dma_start3A_459, %dma_start3A_460] : memref<8x32x128xf32, #tpu.memory_space<vmem>> -> memref<1x32x128xf32, #tpu.memory_space<vmem>>
      %dma_start3A_462 = tpu.memref_squeeze %dma_start3A_461 : memref<1x32x128xf32, #tpu.memory_space<vmem>> -> memref<32x128xf32, #tpu.memory_space<vmem>>
      %dma_start3A_463 = arith.constant 0 : i32
      %dma_start3A_464 = tpu.memref_slice %arg5[%dma_start3A_463, %multiple_of3A_456] : memref<32x1000000xf32, #tpu.memory_space<hbm>> -> memref<32x128xf32, #tpu.memory_space<hbm>>
      %dma_start3A_465 = arith.constant 0 : i32
      %dma_start3A_466 = arith.constant 0 : i32
      %dma_start3A_467 = tpu.memref_slice %arg10[%add3A_458, %dma_start3A_465, %dma_start3A_466] : memref<8x32x128xf32, #tpu.memory_space<vmem>> -> memref<1x32x128xf32, #tpu.memory_space<vmem>>
      %dma_start3A_468 = tpu.memref_squeeze %dma_start3A_467 : memref<1x32x128xf32, #tpu.memory_space<vmem>> -> memref<32x128xf32, #tpu.memory_space<vmem>>
      %dma_start3A_469 = arith.constant 0 : i32
      %dma_start3A_470 = tpu.memref_slice %arg5[%dma_start3A_469, %multiple_of3A_456] : memref<32x1000000xf32, #tpu.memory_space<hbm>> -> memref<32x128xf32, #tpu.memory_space<hbm>>
      tpu.enqueue_dma source(%dma_start3A_470 : memref<32x128xf32, #tpu.memory_space<hbm>>) target(%dma_start3A_468 : memref<32x128xf32, #tpu.memory_space<vmem>>) target_semaphore(%arg12 : memref<!tpu.dma_semaphore, #tpu.memory_space<semaphore_mem>>)
      %slice3A_471 = vector.extract_strided_slice %mul3A_430 {offsets = [1], sizes = [1], strides = [1]} : vector<16xi32> to vector<1xi32>
      %squeeze3A_472 = vector.extract %slice3A_471[0] : i32 from vector<1xi32>
      %multiple_of3A_473 = tpu.assume_multiple %squeeze3A_472, 128 : i32
      %add3A_474 = arith.constant 1 : i32
      %add3A_475 = arith.addi %mul3A_414, %add3A_474 : i32
      %dma_start3A_476 = arith.constant 0 : i32
      %dma_start3A_477 = arith.constant 0 : i32
      %dma_start3A_478 = tpu.memref_slice %arg9[%add3A_475, %dma_start3A_476, %dma_start3A_477] : memref<8x32x128xf32, #tpu.memory_space<vmem>> -> memref<1x32x128xf32, #tpu.memory_space<vmem>>
      %dma_start3A_479 = tpu.memref_squeeze %dma_start3A_478 : memref<1x32x128xf32, #tpu.memory_space<vmem>> -> memref<32x128xf32, #tpu.memory_space<vmem>>
      %dma_start3A_480 = arith.constant 0 : i32
      %dma_start3A_481 = tpu.memref_slice %arg4[%dma_start3A_480, %multiple_of3A_473] : memref<32x1000000xf32, #tpu.memory_space<hbm>> -> memref<32x128xf32, #tpu.memory_space<hbm>>
      %dma_start3A_482 = arith.constant 0 : i32
      %dma_start3A_483 = arith.constant 0 : i32
      %dma_start3A_484 = tpu.memref_slice %arg9[%add3A_475, %dma_start3A_482, %dma_start3A_483] : memref<8x32x128xf32, #tpu.memory_space<vmem>> -> memref<1x32x128xf32, #tpu.memory_space<vmem>>
      %dma_start3A_485 = tpu.memref_squeeze %dma_start3A_484 : memref<1x32x128xf32, #tpu.memory_space<vmem>> -> memref<32x128xf32, #tpu.memory_space<vmem>>
      %dma_start3A_486 = arith.constant 0 : i32
      %dma_start3A_487 = tpu.memref_slice %arg4[%dma_start3A_486, %multiple_of3A_473] : memref<32x1000000xf32, #tpu.memory_space<hbm>> -> memref<32x128xf32, #tpu.memory_space<hbm>>
      tpu.enqueue_dma source(%dma_start3A_487 : memref<32x128xf32, #tpu.memory_space<hbm>>) target(%dma_start3A_485 : memref<32x128xf32, #tpu.memory_space<vmem>>) target_semaphore(%arg12 : memref<!tpu.dma_semaphore, #tpu.memory_space<semaphore_mem>>)
      %slice3A_488 = vector.extract_strided_slice %mul3A_436 {offsets = [1], sizes = [1], strides = [1]} : vector<16xi32> to vector<1xi32>
      %squeeze3A_489 = vector.extract %slice3A_488[0] : i32 from vector<1xi32>
      %multiple_of3A_490 = tpu.assume_multiple %squeeze3A_489, 128 : i32
      %add3A_491 = arith.constant 1 : i32
      %add3A_492 = arith.addi %mul3A_414, %add3A_491 : i32
      %dma_start3A_493 = arith.constant 0 : i32
      %dma_start3A_494 = arith.constant 0 : i32
      %dma_start3A_495 = tpu.memref_slice %arg10[%add3A_492, %dma_start3A_493, %dma_start3A_494] : memref<8x32x128xf32, #tpu.memory_space<vmem>> -> memref<1x32x128xf32, #tpu.memory_space<vmem>>
      %dma_start3A_496 = tpu.memref_squeeze %dma_start3A_495 : memref<1x32x128xf32, #tpu.memory_space<vmem>> -> memref<32x128xf32, #tpu.memory_space<vmem>>
      %dma_start3A_497 = arith.constant 0 : i32
      %dma_start3A_498 = tpu.memref_slice %arg5[%dma_start3A_497, %multiple_of3A_490] : memref<32x1000000xf32, #tpu.memory_space<hbm>> -> memref<32x128xf32, #tpu.memory_space<hbm>>
      %dma_start3A_499 = arith.constant 0 : i32
      %dma_start3A_500 = arith.constant 0 : i32
      %dma_start3A_501 = tpu.memref_slice %arg10[%add3A_492, %dma_start3A_499, %dma_start3A_500] : memref<8x32x128xf32, #tpu.memory_space<vmem>> -> memref<1x32x128xf32, #tpu.memory_space<vmem>>
      %dma_start3A_502 = tpu.memref_squeeze %dma_start3A_501 : memref<1x32x128xf32, #tpu.memory_space<vmem>> -> memref<32x128xf32, #tpu.memory_space<vmem>>
      %dma_start3A_503 = arith.constant 0 : i32
      %dma_start3A_504 = tpu.memref_slice %arg5[%dma_start3A_503, %multiple_of3A_490] : memref<32x1000000xf32, #tpu.memory_space<hbm>> -> memref<32x128xf32, #tpu.memory_space<hbm>>
      tpu.enqueue_dma source(%dma_start3A_504 : memref<32x128xf32, #tpu.memory_space<hbm>>) target(%dma_start3A_502 : memref<32x128xf32, #tpu.memory_space<vmem>>) target_semaphore(%arg12 : memref<!tpu.dma_semaphore, #tpu.memory_space<semaphore_mem>>)
      %slice3A_505 = vector.extract_strided_slice %mul3A_430 {offsets = [2], sizes = [1], strides = [1]} : vector<16xi32> to vector<1xi32>
      %squeeze3A_506 = vector.extract %slice3A_505[0] : i32 from vector<1xi32>
      %multiple_of3A_507 = tpu.assume_multiple %squeeze3A_506, 128 : i32
      %add3A_508 = arith.constant 2 : i32
      %add3A_509 = arith.addi %mul3A_414, %add3A_508 : i32
      %dma_start3A_510 = arith.constant 0 : i32
      %dma_start3A_511 = arith.constant 0 : i32
      %dma_start3A_512 = tpu.memref_slice %arg9[%add3A_509, %dma_start3A_510, %dma_start3A_511] : memref<8x32x128xf32, #tpu.memory_space<vmem>> -> memref<1x32x128xf32, #tpu.memory_space<vmem>>
      %dma_start3A_513 = tpu.memref_squeeze %dma_start3A_512 : memref<1x32x128xf32, #tpu.memory_space<vmem>> -> memref<32x128xf32, #tpu.memory_space<vmem>>
      %dma_start3A_514 = arith.constant 0 : i32
      %dma_start3A_515 = tpu.memref_slice %arg4[%dma_start3A_514, %multiple_of3A_507] : memref<32x1000000xf32, #tpu.memory_space<hbm>> -> memref<32x128xf32, #tpu.memory_space<hbm>>
      %dma_start3A_516 = arith.constant 0 : i32
      %dma_start3A_517 = arith.constant 0 : i32
      %dma_start3A_518 = tpu.memref_slice %arg9[%add3A_509, %dma_start3A_516, %dma_start3A_517] : memref<8x32x128xf32, #tpu.memory_space<vmem>> -> memref<1x32x128xf32, #tpu.memory_space<vmem>>
      %dma_start3A_519 = tpu.memref_squeeze %dma_start3A_518 : memref<1x32x128xf32, #tpu.memory_space<vmem>> -> memref<32x128xf32, #tpu.memory_space<vmem>>
      %dma_start3A_520 = arith.constant 0 : i32
      %dma_start3A_521 = tpu.memref_slice %arg4[%dma_start3A_520, %multiple_of3A_507] : memref<32x1000000xf32, #tpu.memory_space<hbm>> -> memref<32x128xf32, #tpu.memory_space<hbm>>
      tpu.enqueue_dma source(%dma_start3A_521 : memref<32x128xf32, #tpu.memory_space<hbm>>) target(%dma_start3A_519 : memref<32x128xf32, #tpu.memory_space<vmem>>) target_semaphore(%arg12 : memref<!tpu.dma_semaphore, #tpu.memory_space<semaphore_mem>>)
      %slice3A_522 = vector.extract_strided_slice %mul3A_436 {offsets = [2], sizes = [1], strides = [1]} : vector<16xi32> to vector<1xi32>
      %squeeze3A_523 = vector.extract %slice3A_522[0] : i32 from vector<1xi32>
      %multiple_of3A_524 = tpu.assume_multiple %squeeze3A_523, 128 : i32
      %add3A_525 = arith.constant 2 : i32
      %add3A_526 = arith.addi %mul3A_414, %add3A_525 : i32
      %dma_start3A_527 = arith.constant 0 : i32
      %dma_start3A_528 = arith.constant 0 : i32
      %dma_start3A_529 = tpu.memref_slice %arg10[%add3A_526, %dma_start3A_527, %dma_start3A_528] : memref<8x32x128xf32, #tpu.memory_space<vmem>> -> memref<1x32x128xf32, #tpu.memory_space<vmem>>
      %dma_start3A_530 = tpu.memref_squeeze %dma_start3A_529 : memref<1x32x128xf32, #tpu.memory_space<vmem>> -> memref<32x128xf32, #tpu.memory_space<vmem>>
      %dma_start3A_531 = arith.constant 0 : i32
      %dma_start3A_532 = tpu.memref_slice %arg5[%dma_start3A_531, %multiple_of3A_524] : memref<32x1000000xf32, #tpu.memory_space<hbm>> -> memref<32x128xf32, #tpu.memory_space<hbm>>
      %dma_start3A_533 = arith.constant 0 : i32
      %dma_start3A_534 = arith.constant 0 : i32
      %dma_start3A_535 = tpu.memref_slice %arg10[%add3A_526, %dma_start3A_533, %dma_start3A_534] : memref<8x32x128xf32, #tpu.memory_space<vmem>> -> memref<1x32x128xf32, #tpu.memory_space<vmem>>
      %dma_start3A_536 = tpu.memref_squeeze %dma_start3A_535 : memref<1x32x128xf32, #tpu.memory_space<vmem>> -> memref<32x128xf32, #tpu.memory_space<vmem>>
      %dma_start3A_537 = arith.constant 0 : i32
      %dma_start3A_538 = tpu.memref_slice %arg5[%dma_start3A_537, %multiple_of3A_524] : memref<32x1000000xf32, #tpu.memory_space<hbm>> -> memref<32x128xf32, #tpu.memory_space<hbm>>
      tpu.enqueue_dma source(%dma_start3A_538 : memref<32x128xf32, #tpu.memory_space<hbm>>) target(%dma_start3A_536 : memref<32x128xf32, #tpu.memory_space<vmem>>) target_semaphore(%arg12 : memref<!tpu.dma_semaphore, #tpu.memory_space<semaphore_mem>>)
      %slice3A_539 = vector.extract_strided_slice %mul3A_430 {offsets = [3], sizes = [1], strides = [1]} : vector<16xi32> to vector<1xi32>
      %squeeze3A_540 = vector.extract %slice3A_539[0] : i32 from vector<1xi32>
      %multiple_of3A_541 = tpu.assume_multiple %squeeze3A_540, 128 : i32
      %add3A_542 = arith.constant 3 : i32
      %add3A_543 = arith.addi %mul3A_414, %add3A_542 : i32
      %dma_start3A_544 = arith.constant 0 : i32
      %dma_start3A_545 = arith.constant 0 : i32
      %dma_start3A_546 = tpu.memref_slice %arg9[%add3A_543, %dma_start3A_544, %dma_start3A_545] : memref<8x32x128xf32, #tpu.memory_space<vmem>> -> memref<1x32x128xf32, #tpu.memory_space<vmem>>
      %dma_start3A_547 = tpu.memref_squeeze %dma_start3A_546 : memref<1x32x128xf32, #tpu.memory_space<vmem>> -> memref<32x128xf32, #tpu.memory_space<vmem>>
      %dma_start3A_548 = arith.constant 0 : i32
      %dma_start3A_549 = tpu.memref_slice %arg4[%dma_start3A_548, %multiple_of3A_541] : memref<32x1000000xf32, #tpu.memory_space<hbm>> -> memref<32x128xf32, #tpu.memory_space<hbm>>
      %dma_start3A_550 = arith.constant 0 : i32
      %dma_start3A_551 = arith.constant 0 : i32
      %dma_start3A_552 = tpu.memref_slice %arg9[%add3A_543, %dma_start3A_550, %dma_start3A_551] : memref<8x32x128xf32, #tpu.memory_space<vmem>> -> memref<1x32x128xf32, #tpu.memory_space<vmem>>
      %dma_start3A_553 = tpu.memref_squeeze %dma_start3A_552 : memref<1x32x128xf32, #tpu.memory_space<vmem>> -> memref<32x128xf32, #tpu.memory_space<vmem>>
      %dma_start3A_554 = arith.constant 0 : i32
      %dma_start3A_555 = tpu.memref_slice %arg4[%dma_start3A_554, %multiple_of3A_541] : memref<32x1000000xf32, #tpu.memory_space<hbm>> -> memref<32x128xf32, #tpu.memory_space<hbm>>
      tpu.enqueue_dma source(%dma_start3A_555 : memref<32x128xf32, #tpu.memory_space<hbm>>) target(%dma_start3A_553 : memref<32x128xf32, #tpu.memory_space<vmem>>) target_semaphore(%arg12 : memref<!tpu.dma_semaphore, #tpu.memory_space<semaphore_mem>>)
      %slice3A_556 = vector.extract_strided_slice %mul3A_436 {offsets = [3], sizes = [1], strides = [1]} : vector<16xi32> to vector<1xi32>
      %squeeze3A_557 = vector.extract %slice3A_556[0] : i32 from vector<1xi32>
      %multiple_of3A_558 = tpu.assume_multiple %squeeze3A_557, 128 : i32
      %add3A_559 = arith.constant 3 : i32
      %add3A_560 = arith.addi %mul3A_414, %add3A_559 : i32
      %dma_start3A_561 = arith.constant 0 : i32
      %dma_start3A_562 = arith.constant 0 : i32
      %dma_start3A_563 = tpu.memref_slice %arg10[%add3A_560, %dma_start3A_561, %dma_start3A_562] : memref<8x32x128xf32, #tpu.memory_space<vmem>> -> memref<1x32x128xf32, #tpu.memory_space<vmem>>
      %dma_start3A_564 = tpu.memref_squeeze %dma_start3A_563 : memref<1x32x128xf32, #tpu.memory_space<vmem>> -> memref<32x128xf32, #tpu.memory_space<vmem>>
      %dma_start3A_565 = arith.constant 0 : i32
      %dma_start3A_566 = tpu.memref_slice %arg5[%dma_start3A_565, %multiple_of3A_558] : memref<32x1000000xf32, #tpu.memory_space<hbm>> -> memref<32x128xf32, #tpu.memory_space<hbm>>
      %dma_start3A_567 = arith.constant 0 : i32
      %dma_start3A_568 = arith.constant 0 : i32
      %dma_start3A_569 = tpu.memref_slice %arg10[%add3A_560, %dma_start3A_567, %dma_start3A_568] : memref<8x32x128xf32, #tpu.memory_space<vmem>> -> memref<1x32x128xf32, #tpu.memory_space<vmem>>
      %dma_start3A_570 = tpu.memref_squeeze %dma_start3A_569 : memref<1x32x128xf32, #tpu.memory_space<vmem>> -> memref<32x128xf32, #tpu.memory_space<vmem>>
      %dma_start3A_571 = arith.constant 0 : i32
      %dma_start3A_572 = tpu.memref_slice %arg5[%dma_start3A_571, %multiple_of3A_558] : memref<32x1000000xf32, #tpu.memory_space<hbm>> -> memref<32x128xf32, #tpu.memory_space<hbm>>
      tpu.enqueue_dma source(%dma_start3A_572 : memref<32x128xf32, #tpu.memory_space<hbm>>) target(%dma_start3A_570 : memref<32x128xf32, #tpu.memory_space<vmem>>) target_semaphore(%arg12 : memref<!tpu.dma_semaphore, #tpu.memory_space<semaphore_mem>>)
      %mul3A_573 = arith.constant 4 : i32
      %mul3A_574 = arith.muli %scan3A_408, %mul3A_573 : i32
      %rem3A_575 = arith.constant 2 : i32
      %rem3A_576 = arith.remsi %scan3A_408, %rem3A_575 : i32
      %mul3A_577 = arith.constant 4 : i32
      %mul3A_578 = arith.muli %rem3A_576, %mul3A_577 : i32
      %dma_wait3A_579 = arith.constant 0 : i32
      %dma_wait3A_580 = arith.constant 0 : i32
      %dma_wait3A_581 = arith.constant 0 : i32
      %dma_wait3A_582 = tpu.memref_slice %arg9[%dma_wait3A_579, %dma_wait3A_580, %dma_wait3A_581] : memref<8x32x128xf32, #tpu.memory_space<vmem>> -> memref<1x32x128xf32, #tpu.memory_space<vmem>>
      %dma_wait3A_583 = tpu.memref_squeeze %dma_wait3A_582 : memref<1x32x128xf32, #tpu.memory_space<vmem>> -> memref<32x128xf32, #tpu.memory_space<vmem>>
      %dma_wait3A_584 = arith.constant 0 : i32
      %dma_wait3A_585 = arith.constant 0 : i32
      %dma_wait3A_586 = tpu.memref_slice %arg4[%dma_wait3A_584, %dma_wait3A_585] : memref<32x1000000xf32, #tpu.memory_space<hbm>> -> memref<32x128xf32, #tpu.memory_space<hbm>>
      %dma_wait3A_587 = arith.constant 0 : i32
      %dma_wait3A_588 = arith.constant 0 : i32
      %dma_wait3A_589 = tpu.memref_slice %arg9[%dma_wait3A_579, %dma_wait3A_587, %dma_wait3A_588] : memref<8x32x128xf32, #tpu.memory_space<vmem>> -> memref<1x32x128xf32, #tpu.memory_space<vmem>>
      %dma_wait3A_590 = tpu.memref_squeeze %dma_wait3A_589 : memref<1x32x128xf32, #tpu.memory_space<vmem>> -> memref<32x128xf32, #tpu.memory_space<vmem>>
      %dma_wait3A_591 = arith.constant 0 : i32
      %dma_wait3A_592 = arith.constant 0 : i32
      %dma_wait3A_593 = tpu.memref_slice %arg4[%dma_wait3A_591, %dma_wait3A_592] : memref<32x1000000xf32, #tpu.memory_space<hbm>> -> memref<32x128xf32, #tpu.memory_space<hbm>>
      tpu.wait_dma2 semaphore(%arg12 : memref<!tpu.dma_semaphore, #tpu.memory_space<semaphore_mem>>) src(%dma_wait3A_593 : memref<32x128xf32, #tpu.memory_space<hbm>>) dst(%dma_wait3A_590 : memref<32x128xf32, #tpu.memory_space<vmem>>)
      %dma_wait3A_594 = arith.constant 0 : i32
      %dma_wait3A_595 = arith.constant 0 : i32
      %dma_wait3A_596 = arith.constant 0 : i32
      %dma_wait3A_597 = tpu.memref_slice %arg9[%dma_wait3A_594, %dma_wait3A_595, %dma_wait3A_596] : memref<8x32x128xf32, #tpu.memory_space<vmem>> -> memref<1x32x128xf32, #tpu.memory_space<vmem>>
      %dma_wait3A_598 = tpu.memref_squeeze %dma_wait3A_597 : memref<1x32x128xf32, #tpu.memory_space<vmem>> -> memref<32x128xf32, #tpu.memory_space<vmem>>
      %dma_wait3A_599 = arith.constant 0 : i32
      %dma_wait3A_600 = arith.constant 0 : i32
      %dma_wait3A_601 = tpu.memref_slice %arg4[%dma_wait3A_599, %dma_wait3A_600] : memref<32x1000000xf32, #tpu.memory_space<hbm>> -> memref<32x128xf32, #tpu.memory_space<hbm>>
      %dma_wait3A_602 = arith.constant 0 : i32
      %dma_wait3A_603 = arith.constant 0 : i32
      %dma_wait3A_604 = tpu.memref_slice %arg9[%dma_wait3A_594, %dma_wait3A_602, %dma_wait3A_603] : memref<8x32x128xf32, #tpu.memory_space<vmem>> -> memref<1x32x128xf32, #tpu.memory_space<vmem>>
      %dma_wait3A_605 = tpu.memref_squeeze %dma_wait3A_604 : memref<1x32x128xf32, #tpu.memory_space<vmem>> -> memref<32x128xf32, #tpu.memory_space<vmem>>
      %dma_wait3A_606 = arith.constant 0 : i32
      %dma_wait3A_607 = arith.constant 0 : i32
      %dma_wait3A_608 = tpu.memref_slice %arg4[%dma_wait3A_606, %dma_wait3A_607] : memref<32x1000000xf32, #tpu.memory_space<hbm>> -> memref<32x128xf32, #tpu.memory_space<hbm>>
      tpu.wait_dma2 semaphore(%arg12 : memref<!tpu.dma_semaphore, #tpu.memory_space<semaphore_mem>>) src(%dma_wait3A_608 : memref<32x128xf32, #tpu.memory_space<hbm>>) dst(%dma_wait3A_605 : memref<32x128xf32, #tpu.memory_space<vmem>>)
      %dma_wait3A_609 = arith.constant 0 : i32
      %dma_wait3A_610 = arith.constant 0 : i32
      %dma_wait3A_611 = arith.constant 0 : i32
      %dma_wait3A_612 = tpu.memref_slice %arg9[%dma_wait3A_609, %dma_wait3A_610, %dma_wait3A_611] : memref<8x32x128xf32, #tpu.memory_space<vmem>> -> memref<1x32x128xf32, #tpu.memory_space<vmem>>
      %dma_wait3A_613 = tpu.memref_squeeze %dma_wait3A_612 : memref<1x32x128xf32, #tpu.memory_space<vmem>> -> memref<32x128xf32, #tpu.memory_space<vmem>>
      %dma_wait3A_614 = arith.constant 0 : i32
      %dma_wait3A_615 = arith.constant 0 : i32
      %dma_wait3A_616 = tpu.memref_slice %arg4[%dma_wait3A_614, %dma_wait3A_615] : memref<32x1000000xf32, #tpu.memory_space<hbm>> -> memref<32x128xf32, #tpu.memory_space<hbm>>
      %dma_wait3A_617 = arith.constant 0 : i32
      %dma_wait3A_618 = arith.constant 0 : i32
      %dma_wait3A_619 = tpu.memref_slice %arg9[%dma_wait3A_609, %dma_wait3A_617, %dma_wait3A_618] : memref<8x32x128xf32, #tpu.memory_space<vmem>> -> memref<1x32x128xf32, #tpu.memory_space<vmem>>
      %dma_wait3A_620 = tpu.memref_squeeze %dma_wait3A_619 : memref<1x32x128xf32, #tpu.memory_space<vmem>> -> memref<32x128xf32, #tpu.memory_space<vmem>>
      %dma_wait3A_621 = arith.constant 0 : i32
      %dma_wait3A_622 = arith.constant 0 : i32
      %dma_wait3A_623 = tpu.memref_slice %arg4[%dma_wait3A_621, %dma_wait3A_622] : memref<32x1000000xf32, #tpu.memory_space<hbm>> -> memref<32x128xf32, #tpu.memory_space<hbm>>
      tpu.wait_dma2 semaphore(%arg12 : memref<!tpu.dma_semaphore, #tpu.memory_space<semaphore_mem>>) src(%dma_wait3A_623 : memref<32x128xf32, #tpu.memory_space<hbm>>) dst(%dma_wait3A_620 : memref<32x128xf32, #tpu.memory_space<vmem>>)
      %dma_wait3A_624 = arith.constant 0 : i32
      %dma_wait3A_625 = arith.constant 0 : i32
      %dma_wait3A_626 = arith.constant 0 : i32
      %dma_wait3A_627 = tpu.memref_slice %arg9[%dma_wait3A_624, %dma_wait3A_625, %dma_wait3A_626] : memref<8x32x128xf32, #tpu.memory_space<vmem>> -> memref<1x32x128xf32, #tpu.memory_space<vmem>>
      %dma_wait3A_628 = tpu.memref_squeeze %dma_wait3A_627 : memref<1x32x128xf32, #tpu.memory_space<vmem>> -> memref<32x128xf32, #tpu.memory_space<vmem>>
      %dma_wait3A_629 = arith.constant 0 : i32
      %dma_wait3A_630 = arith.constant 0 : i32
      %dma_wait3A_631 = tpu.memref_slice %arg4[%dma_wait3A_629, %dma_wait3A_630] : memref<32x1000000xf32, #tpu.memory_space<hbm>> -> memref<32x128xf32, #tpu.memory_space<hbm>>
      %dma_wait3A_632 = arith.constant 0 : i32
      %dma_wait3A_633 = arith.constant 0 : i32
      %dma_wait3A_634 = tpu.memref_slice %arg9[%dma_wait3A_624, %dma_wait3A_632, %dma_wait3A_633] : memref<8x32x128xf32, #tpu.memory_space<vmem>> -> memref<1x32x128xf32, #tpu.memory_space<vmem>>
      %dma_wait3A_635 = tpu.memref_squeeze %dma_wait3A_634 : memref<1x32x128xf32, #tpu.memory_space<vmem>> -> memref<32x128xf32, #tpu.memory_space<vmem>>
      %dma_wait3A_636 = arith.constant 0 : i32
      %dma_wait3A_637 = arith.constant 0 : i32
      %dma_wait3A_638 = tpu.memref_slice %arg4[%dma_wait3A_636, %dma_wait3A_637] : memref<32x1000000xf32, #tpu.memory_space<hbm>> -> memref<32x128xf32, #tpu.memory_space<hbm>>
      tpu.wait_dma2 semaphore(%arg12 : memref<!tpu.dma_semaphore, #tpu.memory_space<semaphore_mem>>) src(%dma_wait3A_638 : memref<32x128xf32, #tpu.memory_space<hbm>>) dst(%dma_wait3A_635 : memref<32x128xf32, #tpu.memory_space<vmem>>)
      %dma_wait3A_639 = arith.constant 0 : i32
      %dma_wait3A_640 = arith.constant 0 : i32
      %dma_wait3A_641 = arith.constant 0 : i32
      %dma_wait3A_642 = tpu.memref_slice %arg9[%dma_wait3A_639, %dma_wait3A_640, %dma_wait3A_641] : memref<8x32x128xf32, #tpu.memory_space<vmem>> -> memref<1x32x128xf32, #tpu.memory_space<vmem>>
      %dma_wait3A_643 = tpu.memref_squeeze %dma_wait3A_642 : memref<1x32x128xf32, #tpu.memory_space<vmem>> -> memref<32x128xf32, #tpu.memory_space<vmem>>
      %dma_wait3A_644 = arith.constant 0 : i32
      %dma_wait3A_645 = arith.constant 0 : i32
      %dma_wait3A_646 = tpu.memref_slice %arg4[%dma_wait3A_644, %dma_wait3A_645] : memref<32x1000000xf32, #tpu.memory_space<hbm>> -> memref<32x128xf32, #tpu.memory_space<hbm>>
      %dma_wait3A_647 = arith.constant 0 : i32
      %dma_wait3A_648 = arith.constant 0 : i32
      %dma_wait3A_649 = tpu.memref_slice %arg9[%dma_wait3A_639, %dma_wait3A_647, %dma_wait3A_648] : memref<8x32x128xf32, #tpu.memory_space<vmem>> -> memref<1x32x128xf32, #tpu.memory_space<vmem>>
      %dma_wait3A_650 = tpu.memref_squeeze %dma_wait3A_649 : memref<1x32x128xf32, #tpu.memory_space<vmem>> -> memref<32x128xf32, #tpu.memory_space<vmem>>
      %dma_wait3A_651 = arith.constant 0 : i32
      %dma_wait3A_652 = arith.constant 0 : i32
      %dma_wait3A_653 = tpu.memref_slice %arg4[%dma_wait3A_651, %dma_wait3A_652] : memref<32x1000000xf32, #tpu.memory_space<hbm>> -> memref<32x128xf32, #tpu.memory_space<hbm>>
      tpu.wait_dma2 semaphore(%arg12 : memref<!tpu.dma_semaphore, #tpu.memory_space<semaphore_mem>>) src(%dma_wait3A_653 : memref<32x128xf32, #tpu.memory_space<hbm>>) dst(%dma_wait3A_650 : memref<32x128xf32, #tpu.memory_space<vmem>>)
      %dma_wait3A_654 = arith.constant 0 : i32
      %dma_wait3A_655 = arith.constant 0 : i32
      %dma_wait3A_656 = arith.constant 0 : i32
      %dma_wait3A_657 = tpu.memref_slice %arg9[%dma_wait3A_654, %dma_wait3A_655, %dma_wait3A_656] : memref<8x32x128xf32, #tpu.memory_space<vmem>> -> memref<1x32x128xf32, #tpu.memory_space<vmem>>
      %dma_wait3A_658 = tpu.memref_squeeze %dma_wait3A_657 : memref<1x32x128xf32, #tpu.memory_space<vmem>> -> memref<32x128xf32, #tpu.memory_space<vmem>>
      %dma_wait3A_659 = arith.constant 0 : i32
      %dma_wait3A_660 = arith.constant 0 : i32
      %dma_wait3A_661 = tpu.memref_slice %arg4[%dma_wait3A_659, %dma_wait3A_660] : memref<32x1000000xf32, #tpu.memory_space<hbm>> -> memref<32x128xf32, #tpu.memory_space<hbm>>
      %dma_wait3A_662 = arith.constant 0 : i32
      %dma_wait3A_663 = arith.constant 0 : i32
      %dma_wait3A_664 = tpu.memref_slice %arg9[%dma_wait3A_654, %dma_wait3A_662, %dma_wait3A_663] : memref<8x32x128xf32, #tpu.memory_space<vmem>> -> memref<1x32x128xf32, #tpu.memory_space<vmem>>
      %dma_wait3A_665 = tpu.memref_squeeze %dma_wait3A_664 : memref<1x32x128xf32, #tpu.memory_space<vmem>> -> memref<32x128xf32, #tpu.memory_space<vmem>>
      %dma_wait3A_666 = arith.constant 0 : i32
      %dma_wait3A_667 = arith.constant 0 : i32
      %dma_wait3A_668 = tpu.memref_slice %arg4[%dma_wait3A_666, %dma_wait3A_667] : memref<32x1000000xf32, #tpu.memory_space<hbm>> -> memref<32x128xf32, #tpu.memory_space<hbm>>
      tpu.wait_dma2 semaphore(%arg12 : memref<!tpu.dma_semaphore, #tpu.memory_space<semaphore_mem>>) src(%dma_wait3A_668 : memref<32x128xf32, #tpu.memory_space<hbm>>) dst(%dma_wait3A_665 : memref<32x128xf32, #tpu.memory_space<vmem>>)
      %dma_wait3A_669 = arith.constant 0 : i32
      %dma_wait3A_670 = arith.constant 0 : i32
      %dma_wait3A_671 = arith.constant 0 : i32
      %dma_wait3A_672 = tpu.memref_slice %arg9[%dma_wait3A_669, %dma_wait3A_670, %dma_wait3A_671] : memref<8x32x128xf32, #tpu.memory_space<vmem>> -> memref<1x32x128xf32, #tpu.memory_space<vmem>>
      %dma_wait3A_673 = tpu.memref_squeeze %dma_wait3A_672 : memref<1x32x128xf32, #tpu.memory_space<vmem>> -> memref<32x128xf32, #tpu.memory_space<vmem>>
      %dma_wait3A_674 = arith.constant 0 : i32
      %dma_wait3A_675 = arith.constant 0 : i32
      %dma_wait3A_676 = tpu.memref_slice %arg4[%dma_wait3A_674, %dma_wait3A_675] : memref<32x1000000xf32, #tpu.memory_space<hbm>> -> memref<32x128xf32, #tpu.memory_space<hbm>>
      %dma_wait3A_677 = arith.constant 0 : i32
      %dma_wait3A_678 = arith.constant 0 : i32
      %dma_wait3A_679 = tpu.memref_slice %arg9[%dma_wait3A_669, %dma_wait3A_677, %dma_wait3A_678] : memref<8x32x128xf32, #tpu.memory_space<vmem>> -> memref<1x32x128xf32, #tpu.memory_space<vmem>>
      %dma_wait3A_680 = tpu.memref_squeeze %dma_wait3A_679 : memref<1x32x128xf32, #tpu.memory_space<vmem>> -> memref<32x128xf32, #tpu.memory_space<vmem>>
      %dma_wait3A_681 = arith.constant 0 : i32
      %dma_wait3A_682 = arith.constant 0 : i32
      %dma_wait3A_683 = tpu.memref_slice %arg4[%dma_wait3A_681, %dma_wait3A_682] : memref<32x1000000xf32, #tpu.memory_space<hbm>> -> memref<32x128xf32, #tpu.memory_space<hbm>>
      tpu.wait_dma2 semaphore(%arg12 : memref<!tpu.dma_semaphore, #tpu.memory_space<semaphore_mem>>) src(%dma_wait3A_683 : memref<32x128xf32, #tpu.memory_space<hbm>>) dst(%dma_wait3A_680 : memref<32x128xf32, #tpu.memory_space<vmem>>)
      %dma_wait3A_684 = arith.constant 0 : i32
      %dma_wait3A_685 = arith.constant 0 : i32
      %dma_wait3A_686 = arith.constant 0 : i32
      %dma_wait3A_687 = tpu.memref_slice %arg9[%dma_wait3A_684, %dma_wait3A_685, %dma_wait3A_686] : memref<8x32x128xf32, #tpu.memory_space<vmem>> -> memref<1x32x128xf32, #tpu.memory_space<vmem>>
      %dma_wait3A_688 = tpu.memref_squeeze %dma_wait3A_687 : memref<1x32x128xf32, #tpu.memory_space<vmem>> -> memref<32x128xf32, #tpu.memory_space<vmem>>
      %dma_wait3A_689 = arith.constant 0 : i32
      %dma_wait3A_690 = arith.constant 0 : i32
      %dma_wait3A_691 = tpu.memref_slice %arg4[%dma_wait3A_689, %dma_wait3A_690] : memref<32x1000000xf32, #tpu.memory_space<hbm>> -> memref<32x128xf32, #tpu.memory_space<hbm>>
      %dma_wait3A_692 = arith.constant 0 : i32
      %dma_wait3A_693 = arith.constant 0 : i32
      %dma_wait3A_694 = tpu.memref_slice %arg9[%dma_wait3A_684, %dma_wait3A_692, %dma_wait3A_693] : memref<8x32x128xf32, #tpu.memory_space<vmem>> -> memref<1x32x128xf32, #tpu.memory_space<vmem>>
      %dma_wait3A_695 = tpu.memref_squeeze %dma_wait3A_694 : memref<1x32x128xf32, #tpu.memory_space<vmem>> -> memref<32x128xf32, #tpu.memory_space<vmem>>
      %dma_wait3A_696 = arith.constant 0 : i32
      %dma_wait3A_697 = arith.constant 0 : i32
      %dma_wait3A_698 = tpu.memref_slice %arg4[%dma_wait3A_696, %dma_wait3A_697] : memref<32x1000000xf32, #tpu.memory_space<hbm>> -> memref<32x128xf32, #tpu.memory_space<hbm>>
      tpu.wait_dma2 semaphore(%arg12 : memref<!tpu.dma_semaphore, #tpu.memory_space<semaphore_mem>>) src(%dma_wait3A_698 : memref<32x128xf32, #tpu.memory_space<hbm>>) dst(%dma_wait3A_695 : memref<32x128xf32, #tpu.memory_space<vmem>>)
      %add3A_699 = vector.broadcast %mul3A_574 : i32 to vector<16xi32>
      %add3A_700 = arith.addi %add3A_699, %and3A_2 : vector<16xi32>
      %gather3A_701 = tpu.vector_load_idx %arg7[%add3A_700] : memref<512xi32, #tpu.memory_space<vmem>>[vector<16xi32>], vector<16xi32>,
      %add3A_702 = vector.broadcast %mul3A_574 : i32 to vector<16xi32>
      %add3A_703 = arith.addi %add3A_702, %and3A_2 : vector<16xi32>
      %gather3A_704 = tpu.vector_load_idx %arg8[%add3A_703] : memref<512xi32, #tpu.memory_space<vmem>>[vector<16xi32>], vector<16xi32>,
      %and3A_705 = arith.constant 127 : i32
      %and3A_706 = vector.broadcast %and3A_705 : i32 to vector<16xi32>
      %and3A_707 = arith.andi %gather3A_701, %and3A_706 : vector<16xi32>
      %and3A_708 = arith.constant 127 : i32
      %and3A_709 = vector.broadcast %and3A_708 : i32 to vector<16xi32>
      %and3A_710 = arith.andi %gather3A_704, %and3A_709 : vector<16xi32>
      %add3A_711 = vector.broadcast %mul3A_578 : i32 to vector<16xi32>
      %add3A_712 = arith.addi %add3A_711, %and3A_2 : vector<16xi32>
      %broadcast_in_dim3A_713 = arith.constant 0.000000e+00 : f32
      %broadcast_in_dim3A_714 = vector.broadcast %broadcast_in_dim3A_713 : f32 to vector<16xf32>
      %mul3A_715 = arith.constant 8 : i32
      %mul3A_716 = vector.broadcast %mul3A_715 : i32 to vector<16xi32>
      %mul3A_717 = arith.muli %shift_right_arithmetic3A_4, %mul3A_716 : vector<16xi32>
      %add3A_718 = arith.constant 0 : i32
      %add3A_719 = vector.broadcast %add3A_718 : i32 to vector<16xi32>
      %add3A_720 = arith.addi %mul3A_717, %add3A_719 : vector<16xi32>
      %gather3A_721 = tpu.vector_load_idx %arg9[%add3A_712, %add3A_720, %and3A_707] : memref<8x32x128xf32, #tpu.memory_space<vmem>>[vector<16xi32>, vector<16xi32>, vector<16xi32>], vector<16xf32>,
      %gather3A_722 = tpu.vector_load_idx %arg10[%add3A_712, %add3A_720, %and3A_710] : memref<8x32x128xf32, #tpu.memory_space<vmem>>[vector<16xi32>, vector<16xi32>, vector<16xi32>], vector<16xf32>,
      %mul3A_723 = arith.mulf %gather3A_721, %gather3A_722 : vector<16xf32>
      %add3A_724 = arith.addf %broadcast_in_dim3A_714, %mul3A_723 : vector<16xf32>
      %mul3A_725 = arith.constant 8 : i32
      %mul3A_726 = vector.broadcast %mul3A_725 : i32 to vector<16xi32>
      %mul3A_727 = arith.muli %shift_right_arithmetic3A_4, %mul3A_726 : vector<16xi32>
      %add3A_728 = arith.constant 1 : i32
      %add3A_729 = vector.broadcast %add3A_728 : i32 to vector<16xi32>
      %add3A_730 = arith.addi %mul3A_727, %add3A_729 : vector<16xi32>
      %gather3A_731 = tpu.vector_load_idx %arg9[%add3A_712, %add3A_730, %and3A_707] : memref<8x32x128xf32, #tpu.memory_space<vmem>>[vector<16xi32>, vector<16xi32>, vector<16xi32>], vector<16xf32>,
      %gather3A_732 = tpu.vector_load_idx %arg10[%add3A_712, %add3A_730, %and3A_710] : memref<8x32x128xf32, #tpu.memory_space<vmem>>[vector<16xi32>, vector<16xi32>, vector<16xi32>], vector<16xf32>,
      %mul3A_733 = arith.mulf %gather3A_731, %gather3A_732 : vector<16xf32>
      %add3A_734 = arith.addf %add3A_724, %mul3A_733 : vector<16xf32>
      %mul3A_735 = arith.constant 8 : i32
      %mul3A_736 = vector.broadcast %mul3A_735 : i32 to vector<16xi32>
      %mul3A_737 = arith.muli %shift_right_arithmetic3A_4, %mul3A_736 : vector<16xi32>
      %add3A_738 = arith.constant 2 : i32
      %add3A_739 = vector.broadcast %add3A_738 : i32 to vector<16xi32>
      %add3A_740 = arith.addi %mul3A_737, %add3A_739 : vector<16xi32>
      %gather3A_741 = tpu.vector_load_idx %arg9[%add3A_712, %add3A_740, %and3A_707] : memref<8x32x128xf32, #tpu.memory_space<vmem>>[vector<16xi32>, vector<16xi32>, vector<16xi32>], vector<16xf32>,
      %gather3A_742 = tpu.vector_load_idx %arg10[%add3A_712, %add3A_740, %and3A_710] : memref<8x32x128xf32, #tpu.memory_space<vmem>>[vector<16xi32>, vector<16xi32>, vector<16xi32>], vector<16xf32>,
      %mul3A_743 = arith.mulf %gather3A_741, %gather3A_742 : vector<16xf32>
      %add3A_744 = arith.addf %add3A_734, %mul3A_743 : vector<16xf32>
      %mul3A_745 = arith.constant 8 : i32
      %mul3A_746 = vector.broadcast %mul3A_745 : i32 to vector<16xi32>
      %mul3A_747 = arith.muli %shift_right_arithmetic3A_4, %mul3A_746 : vector<16xi32>
      %add3A_748 = arith.constant 3 : i32
      %add3A_749 = vector.broadcast %add3A_748 : i32 to vector<16xi32>
      %add3A_750 = arith.addi %mul3A_747, %add3A_749 : vector<16xi32>
      %gather3A_751 = tpu.vector_load_idx %arg9[%add3A_712, %add3A_750, %and3A_707] : memref<8x32x128xf32, #tpu.memory_space<vmem>>[vector<16xi32>, vector<16xi32>, vector<16xi32>], vector<16xf32>,
      %gather3A_752 = tpu.vector_load_idx %arg10[%add3A_712, %add3A_750, %and3A_710] : memref<8x32x128xf32, #tpu.memory_space<vmem>>[vector<16xi32>, vector<16xi32>, vector<16xi32>], vector<16xf32>,
      %mul3A_753 = arith.mulf %gather3A_751, %gather3A_752 : vector<16xf32>
      %add3A_754 = arith.addf %add3A_744, %mul3A_753 : vector<16xf32>
      %mul3A_755 = arith.constant 8 : i32
      %mul3A_756 = vector.broadcast %mul3A_755 : i32 to vector<16xi32>
      %mul3A_757 = arith.muli %shift_right_arithmetic3A_4, %mul3A_756 : vector<16xi32>
      %add3A_758 = arith.constant 4 : i32
      %add3A_759 = vector.broadcast %add3A_758 : i32 to vector<16xi32>
      %add3A_760 = arith.addi %mul3A_757, %add3A_759 : vector<16xi32>
      %gather3A_761 = tpu.vector_load_idx %arg9[%add3A_712, %add3A_760, %and3A_707] : memref<8x32x128xf32, #tpu.memory_space<vmem>>[vector<16xi32>, vector<16xi32>, vector<16xi32>], vector<16xf32>,
      %gather3A_762 = tpu.vector_load_idx %arg10[%add3A_712, %add3A_760, %and3A_710] : memref<8x32x128xf32, #tpu.memory_space<vmem>>[vector<16xi32>, vector<16xi32>, vector<16xi32>], vector<16xf32>,
      %mul3A_763 = arith.mulf %gather3A_761, %gather3A_762 : vector<16xf32>
      %add3A_764 = arith.addf %add3A_754, %mul3A_763 : vector<16xf32>
      %mul3A_765 = arith.constant 8 : i32
      %mul3A_766 = vector.broadcast %mul3A_765 : i32 to vector<16xi32>
      %mul3A_767 = arith.muli %shift_right_arithmetic3A_4, %mul3A_766 : vector<16xi32>
      %add3A_768 = arith.constant 5 : i32
      %add3A_769 = vector.broadcast %add3A_768 : i32 to vector<16xi32>
      %add3A_770 = arith.addi %mul3A_767, %add3A_769 : vector<16xi32>
      %gather3A_771 = tpu.vector_load_idx %arg9[%add3A_712, %add3A_770, %and3A_707] : memref<8x32x128xf32, #tpu.memory_space<vmem>>[vector<16xi32>, vector<16xi32>, vector<16xi32>], vector<16xf32>,
      %gather3A_772 = tpu.vector_load_idx %arg10[%add3A_712, %add3A_770, %and3A_710] : memref<8x32x128xf32, #tpu.memory_space<vmem>>[vector<16xi32>, vector<16xi32>, vector<16xi32>], vector<16xf32>,
      %mul3A_773 = arith.mulf %gather3A_771, %gather3A_772 : vector<16xf32>
      %add3A_774 = arith.addf %add3A_764, %mul3A_773 : vector<16xf32>
      %mul3A_775 = arith.constant 8 : i32
      %mul3A_776 = vector.broadcast %mul3A_775 : i32 to vector<16xi32>
      %mul3A_777 = arith.muli %shift_right_arithmetic3A_4, %mul3A_776 : vector<16xi32>
      %add3A_778 = arith.constant 6 : i32
      %add3A_779 = vector.broadcast %add3A_778 : i32 to vector<16xi32>
      %add3A_780 = arith.addi %mul3A_777, %add3A_779 : vector<16xi32>
      %gather3A_781 = tpu.vector_load_idx %arg9[%add3A_712, %add3A_780, %and3A_707] : memref<8x32x128xf32, #tpu.memory_space<vmem>>[vector<16xi32>, vector<16xi32>, vector<16xi32>], vector<16xf32>,
      %gather3A_782 = tpu.vector_load_idx %arg10[%add3A_712, %add3A_780, %and3A_710] : memref<8x32x128xf32, #tpu.memory_space<vmem>>[vector<16xi32>, vector<16xi32>, vector<16xi32>], vector<16xf32>,
      %mul3A_783 = arith.mulf %gather3A_781, %gather3A_782 : vector<16xf32>
      %add3A_784 = arith.addf %add3A_774, %mul3A_783 : vector<16xf32>
      %mul3A_785 = arith.constant 8 : i32
      %mul3A_786 = vector.broadcast %mul3A_785 : i32 to vector<16xi32>
      %mul3A_787 = arith.muli %shift_right_arithmetic3A_4, %mul3A_786 : vector<16xi32>
      %add3A_788 = arith.constant 7 : i32
      %add3A_789 = vector.broadcast %add3A_788 : i32 to vector<16xi32>
      %add3A_790 = arith.addi %mul3A_787, %add3A_789 : vector<16xi32>
      %gather3A_791 = tpu.vector_load_idx %arg9[%add3A_712, %add3A_790, %and3A_707] : memref<8x32x128xf32, #tpu.memory_space<vmem>>[vector<16xi32>, vector<16xi32>, vector<16xi32>], vector<16xf32>,
      %gather3A_792 = tpu.vector_load_idx %arg10[%add3A_712, %add3A_790, %and3A_710] : memref<8x32x128xf32, #tpu.memory_space<vmem>>[vector<16xi32>, vector<16xi32>, vector<16xi32>], vector<16xf32>,
      %mul3A_793 = arith.mulf %gather3A_791, %gather3A_792 : vector<16xf32>
      %add3A_794 = arith.addf %add3A_784, %mul3A_793 : vector<16xf32>
      %add3A_795 = vector.broadcast %mul3A_574 : i32 to vector<16xi32>
      %add3A_796 = arith.addi %add3A_795, %and3A_2 : vector<16xi32>
      %eq3A_797 = arith.constant 0 : i32
      %eq3A_798 = vector.broadcast %eq3A_797 : i32 to vector<16xi32>
      %eq3A_799 = arith.cmpi eq, %shift_right_arithmetic3A_4, %eq3A_798 : vector<16xi32>
      tpu.vector_store_idx %arg11[%add3A_796], %add3A_794 masked %eq3A_799 {add = true} : memref<512xf32, #tpu.memory_space<vmem>>[vector<16xi32>], vector<16xf32>, vector<16xi1>
      %eq3A_800 = arith.constant 1 : i32
      %eq3A_801 = vector.broadcast %eq3A_800 : i32 to vector<16xi32>
      %eq3A_802 = arith.cmpi eq, %shift_right_arithmetic3A_4, %eq3A_801 : vector<16xi32>
      tpu.vector_store_idx %arg11[%add3A_796], %add3A_794 masked %eq3A_802 {add = true} : memref<512xf32, #tpu.memory_space<vmem>>[vector<16xi32>], vector<16xf32>, vector<16xi1>
      %eq3A_803 = arith.constant 2 : i32
      %eq3A_804 = vector.broadcast %eq3A_803 : i32 to vector<16xi32>
      %eq3A_805 = arith.cmpi eq, %shift_right_arithmetic3A_4, %eq3A_804 : vector<16xi32>
      tpu.vector_store_idx %arg11[%add3A_796], %add3A_794 masked %eq3A_805 {add = true} : memref<512xf32, #tpu.memory_space<vmem>>[vector<16xi32>], vector<16xf32>, vector<16xi1>
      %eq3A_806 = arith.constant 3 : i32
      %eq3A_807 = vector.broadcast %eq3A_806 : i32 to vector<16xi32>
      %eq3A_808 = arith.cmpi eq, %shift_right_arithmetic3A_4, %eq3A_807 : vector<16xi32>
      tpu.vector_store_idx %arg11[%add3A_796], %add3A_794 masked %eq3A_808 {add = true} : memref<512xf32, #tpu.memory_space<vmem>>[vector<16xi32>], vector<16xf32>, vector<16xi1>
    }
    %scan3A_170 = arith.constant 127 : i32
    %rem3A_171 = arith.constant 127 : i32
    %rem3A_172 = arith.constant 2 : i32
    %rem3A_173 = arith.remsi %rem3A_171, %rem3A_172 : i32
    %mul3A_174 = arith.constant 4 : i32
    %mul3A_175 = arith.muli %rem3A_173, %mul3A_174 : i32
    %dma_wait3A = arith.constant 0 : i32
    %dma_wait3A_176 = arith.constant 0 : i32
    %dma_wait3A_177 = arith.constant 0 : i32
    %dma_wait3A_178 = tpu.memref_slice %arg9[%dma_wait3A, %dma_wait3A_176, %dma_wait3A_177] : memref<8x32x128xf32, #tpu.memory_space<vmem>> -> memref<1x32x128xf32, #tpu.memory_space<vmem>>
    %dma_wait3A_179 = tpu.memref_squeeze %dma_wait3A_178 : memref<1x32x128xf32, #tpu.memory_space<vmem>> -> memref<32x128xf32, #tpu.memory_space<vmem>>
    %dma_wait3A_180 = arith.constant 0 : i32
    %dma_wait3A_181 = arith.constant 0 : i32
    %dma_wait3A_182 = tpu.memref_slice %arg4[%dma_wait3A_180, %dma_wait3A_181] : memref<32x1000000xf32, #tpu.memory_space<hbm>> -> memref<32x128xf32, #tpu.memory_space<hbm>>
    %dma_wait3A_183 = arith.constant 0 : i32
    %dma_wait3A_184 = arith.constant 0 : i32
    %dma_wait3A_185 = tpu.memref_slice %arg9[%dma_wait3A, %dma_wait3A_183, %dma_wait3A_184] : memref<8x32x128xf32, #tpu.memory_space<vmem>> -> memref<1x32x128xf32, #tpu.memory_space<vmem>>
    %dma_wait3A_186 = tpu.memref_squeeze %dma_wait3A_185 : memref<1x32x128xf32, #tpu.memory_space<vmem>> -> memref<32x128xf32, #tpu.memory_space<vmem>>
    %dma_wait3A_187 = arith.constant 0 : i32
    %dma_wait3A_188 = arith.constant 0 : i32
    %dma_wait3A_189 = tpu.memref_slice %arg4[%dma_wait3A_187, %dma_wait3A_188] : memref<32x1000000xf32, #tpu.memory_space<hbm>> -> memref<32x128xf32, #tpu.memory_space<hbm>>
    tpu.wait_dma2 semaphore(%arg12 : memref<!tpu.dma_semaphore, #tpu.memory_space<semaphore_mem>>) src(%dma_wait3A_189 : memref<32x128xf32, #tpu.memory_space<hbm>>) dst(%dma_wait3A_186 : memref<32x128xf32, #tpu.memory_space<vmem>>)
    %dma_wait3A_190 = arith.constant 0 : i32
    %dma_wait3A_191 = arith.constant 0 : i32
    %dma_wait3A_192 = arith.constant 0 : i32
    %dma_wait3A_193 = tpu.memref_slice %arg9[%dma_wait3A_190, %dma_wait3A_191, %dma_wait3A_192] : memref<8x32x128xf32, #tpu.memory_space<vmem>> -> memref<1x32x128xf32, #tpu.memory_space<vmem>>
    %dma_wait3A_194 = tpu.memref_squeeze %dma_wait3A_193 : memref<1x32x128xf32, #tpu.memory_space<vmem>> -> memref<32x128xf32, #tpu.memory_space<vmem>>
    %dma_wait3A_195 = arith.constant 0 : i32
    %dma_wait3A_196 = arith.constant 0 : i32
    %dma_wait3A_197 = tpu.memref_slice %arg4[%dma_wait3A_195, %dma_wait3A_196] : memref<32x1000000xf32, #tpu.memory_space<hbm>> -> memref<32x128xf32, #tpu.memory_space<hbm>>
    %dma_wait3A_198 = arith.constant 0 : i32
    %dma_wait3A_199 = arith.constant 0 : i32
    %dma_wait3A_200 = tpu.memref_slice %arg9[%dma_wait3A_190, %dma_wait3A_198, %dma_wait3A_199] : memref<8x32x128xf32, #tpu.memory_space<vmem>> -> memref<1x32x128xf32, #tpu.memory_space<vmem>>
    %dma_wait3A_201 = tpu.memref_squeeze %dma_wait3A_200 : memref<1x32x128xf32, #tpu.memory_space<vmem>> -> memref<32x128xf32, #tpu.memory_space<vmem>>
    %dma_wait3A_202 = arith.constant 0 : i32
    %dma_wait3A_203 = arith.constant 0 : i32
    %dma_wait3A_204 = tpu.memref_slice %arg4[%dma_wait3A_202, %dma_wait3A_203] : memref<32x1000000xf32, #tpu.memory_space<hbm>> -> memref<32x128xf32, #tpu.memory_space<hbm>>
    tpu.wait_dma2 semaphore(%arg12 : memref<!tpu.dma_semaphore, #tpu.memory_space<semaphore_mem>>) src(%dma_wait3A_204 : memref<32x128xf32, #tpu.memory_space<hbm>>) dst(%dma_wait3A_201 : memref<32x128xf32, #tpu.memory_space<vmem>>)
    %dma_wait3A_205 = arith.constant 0 : i32
    %dma_wait3A_206 = arith.constant 0 : i32
    %dma_wait3A_207 = arith.constant 0 : i32
    %dma_wait3A_208 = tpu.memref_slice %arg9[%dma_wait3A_205, %dma_wait3A_206, %dma_wait3A_207] : memref<8x32x128xf32, #tpu.memory_space<vmem>> -> memref<1x32x128xf32, #tpu.memory_space<vmem>>
    %dma_wait3A_209 = tpu.memref_squeeze %dma_wait3A_208 : memref<1x32x128xf32, #tpu.memory_space<vmem>> -> memref<32x128xf32, #tpu.memory_space<vmem>>
    %dma_wait3A_210 = arith.constant 0 : i32
    %dma_wait3A_211 = arith.constant 0 : i32
    %dma_wait3A_212 = tpu.memref_slice %arg4[%dma_wait3A_210, %dma_wait3A_211] : memref<32x1000000xf32, #tpu.memory_space<hbm>> -> memref<32x128xf32, #tpu.memory_space<hbm>>
    %dma_wait3A_213 = arith.constant 0 : i32
    %dma_wait3A_214 = arith.constant 0 : i32
    %dma_wait3A_215 = tpu.memref_slice %arg9[%dma_wait3A_205, %dma_wait3A_213, %dma_wait3A_214] : memref<8x32x128xf32, #tpu.memory_space<vmem>> -> memref<1x32x128xf32, #tpu.memory_space<vmem>>
    %dma_wait3A_216 = tpu.memref_squeeze %dma_wait3A_215 : memref<1x32x128xf32, #tpu.memory_space<vmem>> -> memref<32x128xf32, #tpu.memory_space<vmem>>
    %dma_wait3A_217 = arith.constant 0 : i32
    %dma_wait3A_218 = arith.constant 0 : i32
    %dma_wait3A_219 = tpu.memref_slice %arg4[%dma_wait3A_217, %dma_wait3A_218] : memref<32x1000000xf32, #tpu.memory_space<hbm>> -> memref<32x128xf32, #tpu.memory_space<hbm>>
    tpu.wait_dma2 semaphore(%arg12 : memref<!tpu.dma_semaphore, #tpu.memory_space<semaphore_mem>>) src(%dma_wait3A_219 : memref<32x128xf32, #tpu.memory_space<hbm>>) dst(%dma_wait3A_216 : memref<32x128xf32, #tpu.memory_space<vmem>>)
    %dma_wait3A_220 = arith.constant 0 : i32
    %dma_wait3A_221 = arith.constant 0 : i32
    %dma_wait3A_222 = arith.constant 0 : i32
    %dma_wait3A_223 = tpu.memref_slice %arg9[%dma_wait3A_220, %dma_wait3A_221, %dma_wait3A_222] : memref<8x32x128xf32, #tpu.memory_space<vmem>> -> memref<1x32x128xf32, #tpu.memory_space<vmem>>
    %dma_wait3A_224 = tpu.memref_squeeze %dma_wait3A_223 : memref<1x32x128xf32, #tpu.memory_space<vmem>> -> memref<32x128xf32, #tpu.memory_space<vmem>>
    %dma_wait3A_225 = arith.constant 0 : i32
    %dma_wait3A_226 = arith.constant 0 : i32
    %dma_wait3A_227 = tpu.memref_slice %arg4[%dma_wait3A_225, %dma_wait3A_226] : memref<32x1000000xf32, #tpu.memory_space<hbm>> -> memref<32x128xf32, #tpu.memory_space<hbm>>
    %dma_wait3A_228 = arith.constant 0 : i32
    %dma_wait3A_229 = arith.constant 0 : i32
    %dma_wait3A_230 = tpu.memref_slice %arg9[%dma_wait3A_220, %dma_wait3A_228, %dma_wait3A_229] : memref<8x32x128xf32, #tpu.memory_space<vmem>> -> memref<1x32x128xf32, #tpu.memory_space<vmem>>
    %dma_wait3A_231 = tpu.memref_squeeze %dma_wait3A_230 : memref<1x32x128xf32, #tpu.memory_space<vmem>> -> memref<32x128xf32, #tpu.memory_space<vmem>>
    %dma_wait3A_232 = arith.constant 0 : i32
    %dma_wait3A_233 = arith.constant 0 : i32
    %dma_wait3A_234 = tpu.memref_slice %arg4[%dma_wait3A_232, %dma_wait3A_233] : memref<32x1000000xf32, #tpu.memory_space<hbm>> -> memref<32x128xf32, #tpu.memory_space<hbm>>
    tpu.wait_dma2 semaphore(%arg12 : memref<!tpu.dma_semaphore, #tpu.memory_space<semaphore_mem>>) src(%dma_wait3A_234 : memref<32x128xf32, #tpu.memory_space<hbm>>) dst(%dma_wait3A_231 : memref<32x128xf32, #tpu.memory_space<vmem>>)
    %dma_wait3A_235 = arith.constant 0 : i32
    %dma_wait3A_236 = arith.constant 0 : i32
    %dma_wait3A_237 = arith.constant 0 : i32
    %dma_wait3A_238 = tpu.memref_slice %arg9[%dma_wait3A_235, %dma_wait3A_236, %dma_wait3A_237] : memref<8x32x128xf32, #tpu.memory_space<vmem>> -> memref<1x32x128xf32, #tpu.memory_space<vmem>>
    %dma_wait3A_239 = tpu.memref_squeeze %dma_wait3A_238 : memref<1x32x128xf32, #tpu.memory_space<vmem>> -> memref<32x128xf32, #tpu.memory_space<vmem>>
    %dma_wait3A_240 = arith.constant 0 : i32
    %dma_wait3A_241 = arith.constant 0 : i32
    %dma_wait3A_242 = tpu.memref_slice %arg4[%dma_wait3A_240, %dma_wait3A_241] : memref<32x1000000xf32, #tpu.memory_space<hbm>> -> memref<32x128xf32, #tpu.memory_space<hbm>>
    %dma_wait3A_243 = arith.constant 0 : i32
    %dma_wait3A_244 = arith.constant 0 : i32
    %dma_wait3A_245 = tpu.memref_slice %arg9[%dma_wait3A_235, %dma_wait3A_243, %dma_wait3A_244] : memref<8x32x128xf32, #tpu.memory_space<vmem>> -> memref<1x32x128xf32, #tpu.memory_space<vmem>>
    %dma_wait3A_246 = tpu.memref_squeeze %dma_wait3A_245 : memref<1x32x128xf32, #tpu.memory_space<vmem>> -> memref<32x128xf32, #tpu.memory_space<vmem>>
    %dma_wait3A_247 = arith.constant 0 : i32
    %dma_wait3A_248 = arith.constant 0 : i32
    %dma_wait3A_249 = tpu.memref_slice %arg4[%dma_wait3A_247, %dma_wait3A_248] : memref<32x1000000xf32, #tpu.memory_space<hbm>> -> memref<32x128xf32, #tpu.memory_space<hbm>>
    tpu.wait_dma2 semaphore(%arg12 : memref<!tpu.dma_semaphore, #tpu.memory_space<semaphore_mem>>) src(%dma_wait3A_249 : memref<32x128xf32, #tpu.memory_space<hbm>>) dst(%dma_wait3A_246 : memref<32x128xf32, #tpu.memory_space<vmem>>)
    %dma_wait3A_250 = arith.constant 0 : i32
    %dma_wait3A_251 = arith.constant 0 : i32
    %dma_wait3A_252 = arith.constant 0 : i32
    %dma_wait3A_253 = tpu.memref_slice %arg9[%dma_wait3A_250, %dma_wait3A_251, %dma_wait3A_252] : memref<8x32x128xf32, #tpu.memory_space<vmem>> -> memref<1x32x128xf32, #tpu.memory_space<vmem>>
    %dma_wait3A_254 = tpu.memref_squeeze %dma_wait3A_253 : memref<1x32x128xf32, #tpu.memory_space<vmem>> -> memref<32x128xf32, #tpu.memory_space<vmem>>
    %dma_wait3A_255 = arith.constant 0 : i32
    %dma_wait3A_256 = arith.constant 0 : i32
    %dma_wait3A_257 = tpu.memref_slice %arg4[%dma_wait3A_255, %dma_wait3A_256] : memref<32x1000000xf32, #tpu.memory_space<hbm>> -> memref<32x128xf32, #tpu.memory_space<hbm>>
    %dma_wait3A_258 = arith.constant 0 : i32
    %dma_wait3A_259 = arith.constant 0 : i32
    %dma_wait3A_260 = tpu.memref_slice %arg9[%dma_wait3A_250, %dma_wait3A_258, %dma_wait3A_259] : memref<8x32x128xf32, #tpu.memory_space<vmem>> -> memref<1x32x128xf32, #tpu.memory_space<vmem>>
    %dma_wait3A_261 = tpu.memref_squeeze %dma_wait3A_260 : memref<1x32x128xf32, #tpu.memory_space<vmem>> -> memref<32x128xf32, #tpu.memory_space<vmem>>
    %dma_wait3A_262 = arith.constant 0 : i32
    %dma_wait3A_263 = arith.constant 0 : i32
    %dma_wait3A_264 = tpu.memref_slice %arg4[%dma_wait3A_262, %dma_wait3A_263] : memref<32x1000000xf32, #tpu.memory_space<hbm>> -> memref<32x128xf32, #tpu.memory_space<hbm>>
    tpu.wait_dma2 semaphore(%arg12 : memref<!tpu.dma_semaphore, #tpu.memory_space<semaphore_mem>>) src(%dma_wait3A_264 : memref<32x128xf32, #tpu.memory_space<hbm>>) dst(%dma_wait3A_261 : memref<32x128xf32, #tpu.memory_space<vmem>>)
    %dma_wait3A_265 = arith.constant 0 : i32
    %dma_wait3A_266 = arith.constant 0 : i32
    %dma_wait3A_267 = arith.constant 0 : i32
    %dma_wait3A_268 = tpu.memref_slice %arg9[%dma_wait3A_265, %dma_wait3A_266, %dma_wait3A_267] : memref<8x32x128xf32, #tpu.memory_space<vmem>> -> memref<1x32x128xf32, #tpu.memory_space<vmem>>
    %dma_wait3A_269 = tpu.memref_squeeze %dma_wait3A_268 : memref<1x32x128xf32, #tpu.memory_space<vmem>> -> memref<32x128xf32, #tpu.memory_space<vmem>>
    %dma_wait3A_270 = arith.constant 0 : i32
    %dma_wait3A_271 = arith.constant 0 : i32
    %dma_wait3A_272 = tpu.memref_slice %arg4[%dma_wait3A_270, %dma_wait3A_271] : memref<32x1000000xf32, #tpu.memory_space<hbm>> -> memref<32x128xf32, #tpu.memory_space<hbm>>
    %dma_wait3A_273 = arith.constant 0 : i32
    %dma_wait3A_274 = arith.constant 0 : i32
    %dma_wait3A_275 = tpu.memref_slice %arg9[%dma_wait3A_265, %dma_wait3A_273, %dma_wait3A_274] : memref<8x32x128xf32, #tpu.memory_space<vmem>> -> memref<1x32x128xf32, #tpu.memory_space<vmem>>
    %dma_wait3A_276 = tpu.memref_squeeze %dma_wait3A_275 : memref<1x32x128xf32, #tpu.memory_space<vmem>> -> memref<32x128xf32, #tpu.memory_space<vmem>>
    %dma_wait3A_277 = arith.constant 0 : i32
    %dma_wait3A_278 = arith.constant 0 : i32
    %dma_wait3A_279 = tpu.memref_slice %arg4[%dma_wait3A_277, %dma_wait3A_278] : memref<32x1000000xf32, #tpu.memory_space<hbm>> -> memref<32x128xf32, #tpu.memory_space<hbm>>
    tpu.wait_dma2 semaphore(%arg12 : memref<!tpu.dma_semaphore, #tpu.memory_space<semaphore_mem>>) src(%dma_wait3A_279 : memref<32x128xf32, #tpu.memory_space<hbm>>) dst(%dma_wait3A_276 : memref<32x128xf32, #tpu.memory_space<vmem>>)
    %dma_wait3A_280 = arith.constant 0 : i32
    %dma_wait3A_281 = arith.constant 0 : i32
    %dma_wait3A_282 = arith.constant 0 : i32
    %dma_wait3A_283 = tpu.memref_slice %arg9[%dma_wait3A_280, %dma_wait3A_281, %dma_wait3A_282] : memref<8x32x128xf32, #tpu.memory_space<vmem>> -> memref<1x32x128xf32, #tpu.memory_space<vmem>>
    %dma_wait3A_284 = tpu.memref_squeeze %dma_wait3A_283 : memref<1x32x128xf32, #tpu.memory_space<vmem>> -> memref<32x128xf32, #tpu.memory_space<vmem>>
    %dma_wait3A_285 = arith.constant 0 : i32
    %dma_wait3A_286 = arith.constant 0 : i32
    %dma_wait3A_287 = tpu.memref_slice %arg4[%dma_wait3A_285, %dma_wait3A_286] : memref<32x1000000xf32, #tpu.memory_space<hbm>> -> memref<32x128xf32, #tpu.memory_space<hbm>>
    %dma_wait3A_288 = arith.constant 0 : i32
    %dma_wait3A_289 = arith.constant 0 : i32
    %dma_wait3A_290 = tpu.memref_slice %arg9[%dma_wait3A_280, %dma_wait3A_288, %dma_wait3A_289] : memref<8x32x128xf32, #tpu.memory_space<vmem>> -> memref<1x32x128xf32, #tpu.memory_space<vmem>>
    %dma_wait3A_291 = tpu.memref_squeeze %dma_wait3A_290 : memref<1x32x128xf32, #tpu.memory_space<vmem>> -> memref<32x128xf32, #tpu.memory_space<vmem>>
    %dma_wait3A_292 = arith.constant 0 : i32
    %dma_wait3A_293 = arith.constant 0 : i32
    %dma_wait3A_294 = tpu.memref_slice %arg4[%dma_wait3A_292, %dma_wait3A_293] : memref<32x1000000xf32, #tpu.memory_space<hbm>> -> memref<32x128xf32, #tpu.memory_space<hbm>>
    tpu.wait_dma2 semaphore(%arg12 : memref<!tpu.dma_semaphore, #tpu.memory_space<semaphore_mem>>) src(%dma_wait3A_294 : memref<32x128xf32, #tpu.memory_space<hbm>>) dst(%dma_wait3A_291 : memref<32x128xf32, #tpu.memory_space<vmem>>)
    %add3A_295 = arith.constant 508 : i32
    %add3A_296 = vector.broadcast %add3A_295 : i32 to vector<16xi32>
    %add3A_297 = arith.addi %add3A_296, %and3A_2 : vector<16xi32>
    %gather3A_298 = tpu.vector_load_idx %arg7[%add3A_297] : memref<512xi32, #tpu.memory_space<vmem>>[vector<16xi32>], vector<16xi32>,
    %add3A_299 = arith.constant 508 : i32
    %add3A_300 = vector.broadcast %add3A_299 : i32 to vector<16xi32>
    %add3A_301 = arith.addi %add3A_300, %and3A_2 : vector<16xi32>
    %gather3A_302 = tpu.vector_load_idx %arg8[%add3A_301] : memref<512xi32, #tpu.memory_space<vmem>>[vector<16xi32>], vector<16xi32>,
    %and3A_303 = arith.constant 127 : i32
    %and3A_304 = vector.broadcast %and3A_303 : i32 to vector<16xi32>
    %and3A_305 = arith.andi %gather3A_298, %and3A_304 : vector<16xi32>
    %and3A_306 = arith.constant 127 : i32
    %and3A_307 = vector.broadcast %and3A_306 : i32 to vector<16xi32>
    %and3A_308 = arith.andi %gather3A_302, %and3A_307 : vector<16xi32>
    %add3A_309 = vector.broadcast %mul3A_175 : i32 to vector<16xi32>
    %add3A_310 = arith.addi %add3A_309, %and3A_2 : vector<16xi32>
    %broadcast_in_dim3A = arith.constant 0.000000e+00 : f32
    %broadcast_in_dim3A_311 = vector.broadcast %broadcast_in_dim3A : f32 to vector<16xf32>
    %mul3A_312 = arith.constant 8 : i32
    %mul3A_313 = vector.broadcast %mul3A_312 : i32 to vector<16xi32>
    %mul3A_314 = arith.muli %shift_right_arithmetic3A_4, %mul3A_313 : vector<16xi32>
    %add3A_315 = arith.constant 0 : i32
    %add3A_316 = vector.broadcast %add3A_315 : i32 to vector<16xi32>
    %add3A_317 = arith.addi %mul3A_314, %add3A_316 : vector<16xi32>
    %gather3A_318 = tpu.vector_load_idx %arg9[%add3A_310, %add3A_317, %and3A_305] : memref<8x32x128xf32, #tpu.memory_space<vmem>>[vector<16xi32>, vector<16xi32>, vector<16xi32>], vector<16xf32>,
    %gather3A_319 = tpu.vector_load_idx %arg10[%add3A_310, %add3A_317, %and3A_308] : memref<8x32x128xf32, #tpu.memory_space<vmem>>[vector<16xi32>, vector<16xi32>, vector<16xi32>], vector<16xf32>,
    %mul3A_320 = arith.mulf %gather3A_318, %gather3A_319 : vector<16xf32>
    %add3A_321 = arith.addf %broadcast_in_dim3A_311, %mul3A_320 : vector<16xf32>
    %mul3A_322 = arith.constant 8 : i32
    %mul3A_323 = vector.broadcast %mul3A_322 : i32 to vector<16xi32>
    %mul3A_324 = arith.muli %shift_right_arithmetic3A_4, %mul3A_323 : vector<16xi32>
    %add3A_325 = arith.constant 1 : i32
    %add3A_326 = vector.broadcast %add3A_325 : i32 to vector<16xi32>
    %add3A_327 = arith.addi %mul3A_324, %add3A_326 : vector<16xi32>
    %gather3A_328 = tpu.vector_load_idx %arg9[%add3A_310, %add3A_327, %and3A_305] : memref<8x32x128xf32, #tpu.memory_space<vmem>>[vector<16xi32>, vector<16xi32>, vector<16xi32>], vector<16xf32>,
    %gather3A_329 = tpu.vector_load_idx %arg10[%add3A_310, %add3A_327, %and3A_308] : memref<8x32x128xf32, #tpu.memory_space<vmem>>[vector<16xi32>, vector<16xi32>, vector<16xi32>], vector<16xf32>,
    %mul3A_330 = arith.mulf %gather3A_328, %gather3A_329 : vector<16xf32>
    %add3A_331 = arith.addf %add3A_321, %mul3A_330 : vector<16xf32>
    %mul3A_332 = arith.constant 8 : i32
    %mul3A_333 = vector.broadcast %mul3A_332 : i32 to vector<16xi32>
    %mul3A_334 = arith.muli %shift_right_arithmetic3A_4, %mul3A_333 : vector<16xi32>
    %add3A_335 = arith.constant 2 : i32
    %add3A_336 = vector.broadcast %add3A_335 : i32 to vector<16xi32>
    %add3A_337 = arith.addi %mul3A_334, %add3A_336 : vector<16xi32>
    %gather3A_338 = tpu.vector_load_idx %arg9[%add3A_310, %add3A_337, %and3A_305] : memref<8x32x128xf32, #tpu.memory_space<vmem>>[vector<16xi32>, vector<16xi32>, vector<16xi32>], vector<16xf32>,
    %gather3A_339 = tpu.vector_load_idx %arg10[%add3A_310, %add3A_337, %and3A_308] : memref<8x32x128xf32, #tpu.memory_space<vmem>>[vector<16xi32>, vector<16xi32>, vector<16xi32>], vector<16xf32>,
    %mul3A_340 = arith.mulf %gather3A_338, %gather3A_339 : vector<16xf32>
    %add3A_341 = arith.addf %add3A_331, %mul3A_340 : vector<16xf32>
    %mul3A_342 = arith.constant 8 : i32
    %mul3A_343 = vector.broadcast %mul3A_342 : i32 to vector<16xi32>
    %mul3A_344 = arith.muli %shift_right_arithmetic3A_4, %mul3A_343 : vector<16xi32>
    %add3A_345 = arith.constant 3 : i32
    %add3A_346 = vector.broadcast %add3A_345 : i32 to vector<16xi32>
    %add3A_347 = arith.addi %mul3A_344, %add3A_346 : vector<16xi32>
    %gather3A_348 = tpu.vector_load_idx %arg9[%add3A_310, %add3A_347, %and3A_305] : memref<8x32x128xf32, #tpu.memory_space<vmem>>[vector<16xi32>, vector<16xi32>, vector<16xi32>], vector<16xf32>,
    %gather3A_349 = tpu.vector_load_idx %arg10[%add3A_310, %add3A_347, %and3A_308] : memref<8x32x128xf32, #tpu.memory_space<vmem>>[vector<16xi32>, vector<16xi32>, vector<16xi32>], vector<16xf32>,
    %mul3A_350 = arith.mulf %gather3A_348, %gather3A_349 : vector<16xf32>
    %add3A_351 = arith.addf %add3A_341, %mul3A_350 : vector<16xf32>
    %mul3A_352 = arith.constant 8 : i32
    %mul3A_353 = vector.broadcast %mul3A_352 : i32 to vector<16xi32>
    %mul3A_354 = arith.muli %shift_right_arithmetic3A_4, %mul3A_353 : vector<16xi32>
    %add3A_355 = arith.constant 4 : i32
    %add3A_356 = vector.broadcast %add3A_355 : i32 to vector<16xi32>
    %add3A_357 = arith.addi %mul3A_354, %add3A_356 : vector<16xi32>
    %gather3A_358 = tpu.vector_load_idx %arg9[%add3A_310, %add3A_357, %and3A_305] : memref<8x32x128xf32, #tpu.memory_space<vmem>>[vector<16xi32>, vector<16xi32>, vector<16xi32>], vector<16xf32>,
    %gather3A_359 = tpu.vector_load_idx %arg10[%add3A_310, %add3A_357, %and3A_308] : memref<8x32x128xf32, #tpu.memory_space<vmem>>[vector<16xi32>, vector<16xi32>, vector<16xi32>], vector<16xf32>,
    %mul3A_360 = arith.mulf %gather3A_358, %gather3A_359 : vector<16xf32>
    %add3A_361 = arith.addf %add3A_351, %mul3A_360 : vector<16xf32>
    %mul3A_362 = arith.constant 8 : i32
    %mul3A_363 = vector.broadcast %mul3A_362 : i32 to vector<16xi32>
    %mul3A_364 = arith.muli %shift_right_arithmetic3A_4, %mul3A_363 : vector<16xi32>
    %add3A_365 = arith.constant 5 : i32
    %add3A_366 = vector.broadcast %add3A_365 : i32 to vector<16xi32>
    %add3A_367 = arith.addi %mul3A_364, %add3A_366 : vector<16xi32>
    %gather3A_368 = tpu.vector_load_idx %arg9[%add3A_310, %add3A_367, %and3A_305] : memref<8x32x128xf32, #tpu.memory_space<vmem>>[vector<16xi32>, vector<16xi32>, vector<16xi32>], vector<16xf32>,
    %gather3A_369 = tpu.vector_load_idx %arg10[%add3A_310, %add3A_367, %and3A_308] : memref<8x32x128xf32, #tpu.memory_space<vmem>>[vector<16xi32>, vector<16xi32>, vector<16xi32>], vector<16xf32>,
    %mul3A_370 = arith.mulf %gather3A_368, %gather3A_369 : vector<16xf32>
    %add3A_371 = arith.addf %add3A_361, %mul3A_370 : vector<16xf32>
    %mul3A_372 = arith.constant 8 : i32
    %mul3A_373 = vector.broadcast %mul3A_372 : i32 to vector<16xi32>
    %mul3A_374 = arith.muli %shift_right_arithmetic3A_4, %mul3A_373 : vector<16xi32>
    %add3A_375 = arith.constant 6 : i32
    %add3A_376 = vector.broadcast %add3A_375 : i32 to vector<16xi32>
    %add3A_377 = arith.addi %mul3A_374, %add3A_376 : vector<16xi32>
    %gather3A_378 = tpu.vector_load_idx %arg9[%add3A_310, %add3A_377, %and3A_305] : memref<8x32x128xf32, #tpu.memory_space<vmem>>[vector<16xi32>, vector<16xi32>, vector<16xi32>], vector<16xf32>,
    %gather3A_379 = tpu.vector_load_idx %arg10[%add3A_310, %add3A_377, %and3A_308] : memref<8x32x128xf32, #tpu.memory_space<vmem>>[vector<16xi32>, vector<16xi32>, vector<16xi32>], vector<16xf32>,
    %mul3A_380 = arith.mulf %gather3A_378, %gather3A_379 : vector<16xf32>
    %add3A_381 = arith.addf %add3A_371, %mul3A_380 : vector<16xf32>
    %mul3A_382 = arith.constant 8 : i32
    %mul3A_383 = vector.broadcast %mul3A_382 : i32 to vector<16xi32>
    %mul3A_384 = arith.muli %shift_right_arithmetic3A_4, %mul3A_383 : vector<16xi32>
    %add3A_385 = arith.constant 7 : i32
    %add3A_386 = vector.broadcast %add3A_385 : i32 to vector<16xi32>
    %add3A_387 = arith.addi %mul3A_384, %add3A_386 : vector<16xi32>
    %gather3A_388 = tpu.vector_load_idx %arg9[%add3A_310, %add3A_387, %and3A_305] : memref<8x32x128xf32, #tpu.memory_space<vmem>>[vector<16xi32>, vector<16xi32>, vector<16xi32>], vector<16xf32>,
    %gather3A_389 = tpu.vector_load_idx %arg10[%add3A_310, %add3A_387, %and3A_308] : memref<8x32x128xf32, #tpu.memory_space<vmem>>[vector<16xi32>, vector<16xi32>, vector<16xi32>], vector<16xf32>,
    %mul3A_390 = arith.mulf %gather3A_388, %gather3A_389 : vector<16xf32>
    %add3A_391 = arith.addf %add3A_381, %mul3A_390 : vector<16xf32>
    %add3A_392 = arith.constant 508 : i32
    %add3A_393 = vector.broadcast %add3A_392 : i32 to vector<16xi32>
    %add3A_394 = arith.addi %add3A_393, %and3A_2 : vector<16xi32>
    %eq3A = arith.constant 0 : i32
    %eq3A_395 = vector.broadcast %eq3A : i32 to vector<16xi32>
    %eq3A_396 = arith.cmpi eq, %shift_right_arithmetic3A_4, %eq3A_395 : vector<16xi32>
    tpu.vector_store_idx %arg11[%add3A_394], %add3A_391 masked %eq3A_396 {add = true} : memref<512xf32, #tpu.memory_space<vmem>>[vector<16xi32>], vector<16xf32>, vector<16xi1>
    %eq3A_397 = arith.constant 1 : i32
    %eq3A_398 = vector.broadcast %eq3A_397 : i32 to vector<16xi32>
    %eq3A_399 = arith.cmpi eq, %shift_right_arithmetic3A_4, %eq3A_398 : vector<16xi32>
    tpu.vector_store_idx %arg11[%add3A_394], %add3A_391 masked %eq3A_399 {add = true} : memref<512xf32, #tpu.memory_space<vmem>>[vector<16xi32>], vector<16xf32>, vector<16xi1>
    %eq3A_400 = arith.constant 2 : i32
    %eq3A_401 = vector.broadcast %eq3A_400 : i32 to vector<16xi32>
    %eq3A_402 = arith.cmpi eq, %shift_right_arithmetic3A_4, %eq3A_401 : vector<16xi32>
    tpu.vector_store_idx %arg11[%add3A_394], %add3A_391 masked %eq3A_402 {add = true} : memref<512xf32, #tpu.memory_space<vmem>>[vector<16xi32>], vector<16xf32>, vector<16xi1>
    %eq3A_403 = arith.constant 3 : i32
    %eq3A_404 = vector.broadcast %eq3A_403 : i32 to vector<16xi32>
    %eq3A_405 = arith.cmpi eq, %shift_right_arithmetic3A_4, %eq3A_404 : vector<16xi32>
    tpu.vector_store_idx %arg11[%add3A_394], %add3A_391 masked %eq3A_405 {add = true} : memref<512xf32, #tpu.memory_space<vmem>>[vector<16xi32>], vector<16xf32>, vector<16xi1>
    %mul3A_406 = arith.constant 512 : i32
    %mul3A_407 = arith.muli %add3A, %mul3A_406 : i32
    "tpu.region"() ({
      %run_scoped3A = tpu.sem_alloc : memref<!tpu.dma_semaphore, #tpu.memory_space<semaphore_mem>>
      %dma_start3A_408 = tpu.memref_slice %arg6[%mul3A_407] : memref<16384xf32, #tpu.memory_space<hbm>> -> memref<512xf32, #tpu.memory_space<hbm>>
      %dma_start3A_409 = tpu.memref_slice %arg6[%mul3A_407] : memref<16384xf32, #tpu.memory_space<hbm>> -> memref<512xf32, #tpu.memory_space<hbm>>
      tpu.enqueue_dma source(%arg11 : memref<512xf32, #tpu.memory_space<vmem>>) target(%dma_start3A_409 : memref<512xf32, #tpu.memory_space<hbm>>) target_semaphore(%run_scoped3A : memref<!tpu.dma_semaphore, #tpu.memory_space<semaphore_mem>>)
      %dma_wait3A_410 = tpu.memref_slice %arg6[%mul3A_407] : memref<16384xf32, #tpu.memory_space<hbm>> -> memref<512xf32, #tpu.memory_space<hbm>>
      %dma_wait3A_411 = tpu.memref_slice %arg6[%mul3A_407] : memref<16384xf32, #tpu.memory_space<hbm>> -> memref<512xf32, #tpu.memory_space<hbm>>
      tpu.wait_dma2 semaphore(%run_scoped3A : memref<!tpu.dma_semaphore, #tpu.memory_space<semaphore_mem>>) src(%arg11 : memref<512xf32, #tpu.memory_space<vmem>>) dst(%dma_wait3A_411 : memref<512xf32, #tpu.memory_space<hbm>>)
      tpu.yield
    }) : () -> ()
    return
  }
}

</mosaic_0001>

<sc_bundles>
// kernel: kernel.3.cloned.1.call-start
scs
__scs_entry_jumppad:
0x0: {  	(pc) =	sbr.rel $0x88, $3  }
0x1: {  	(tag) =	ssettag $0x0;
	lr =	simm.s32 $0x1  }
0x2: {  	[smem:$0x3F9D] =	sst lr;
	_ =	strace $0xD0000000  }
0x3: {  	_ = 	snop  }
0x4: {  	_ = 	snop  }
0x5: {  	_ = 	snop  }
0x6: {  	_ = 	snop  }
0x7: {  	_ = 	snop  }
__scs_overlays_trampoline_lowered:
0x8: {  	[smem:$0x3FAC] =	sst s0  }
0x9: {  	[smem:$0x3FAD] =	sst s1  }
0xa: {  	[smem:$0x3FAE] =	sst s2  }
0xb: {  	[smem:$0x3FAF] =	sst s3  }
0xc: {  	[smem:$0x3FB0] =	sst s4  }
0xd: {  	[smem:$0x3FB1] =	sst s5  }
0xe: {  	[smem:$0x3FB2] =	sst s6  }
0xf: {  	[smem:$0x3FB3] =	sst s7  }
0x10: {  	[smem:$0x3FB4] =	sst s8  }
0x11: {  	[smem:$0x3FB5] =	sst s9;
	s0 =	simm.s32 @!p0 $0x0  }
0x12: {  	s1 =	sld [smem:$0x3F9B];
	s0 =	simm.s32 @p0 $0x1  }
0x13: {  	[smem:$0x3FB6] =	sst s0;
	s0 =	simm.s32 @!p1 $0x0  }
0x14: {  	s2 =	sld [smem:$0x3F9A];
	s0 =	simm.s32 @p1 $0x1  }
0x15: {  	[smem:$0x3FB7] =	sst s0;
	s0 =	simm.s32 @!p2 $0x0  }
0x16: {  	s3 =	sld [smem:$0x3FDB];
	s0 =	simm.s32 @p2 $0x1  }
0x17: {  	s4 =	simm.s32 $0x1BF5;
	[smem:$0x3FB9] =	sst s0  }
0x18: {  	s0 =	sld [smem:$0x3F9C];
	_ =	swait.ge [sflag:s4], $0x0  }
0x19: {  	s7 =	sld [smem:$0x3F9D]  }
0x1a: {  	s8 =	sadd.s32 $0xFFFFE003, lr  }
0x1b: {  	s9 =	sadd.s32 $0xFFFFFEF7, lr;
	s5 =	simm.s32 $0xFFFFFFFF;
	p2 =	slt.u32 s8, $0xFFFFF086  }
0x1c: {  	p1 =	slt.u32 s9, $0xF7A;
	s5 =	simm.s32 @!p2 $0x0  }
0x1d: {  	s5 =	simm.s32 @p1 $0x1;
	p0 =	seq.s32 s7, s2  }
0x1e: {  	s7 =	smul.u32 @!p0 $0xF7A, s2;
	p2 =	seq.s32 @!p0 s5, $0x0  }
0x1f: {  	s9 =	smul.u32 $0xF7A, s1;
	s8 =	simm.s32 @!p0 $0x1BF5;
	p2 =	por !p2, p0  }
0x20: {  	[sflag:s8] =	ssyncset.s32 @!p0 $0xFFFFF086;
	s6 =	sadd.s32 @!p0 s3, s7;
	s7 =	simm.s32 @!p0 $0x108  }
0x21: {  	s3 =	sadd.s32 s3, s9;
	s6 =	sadd.s32 @!p0 $0x88, s6;
	s7 =	simm.s32 @p2 $0x1082  }
0x22: {  	[simem:s7], [sflag:s8] =	dma.local @!p0 [hbm:s6], $0xF7A  }
0x23: {  	s9 =	sor.u32 $0xD0000000, s2;
	s6 =	simm.s32 $0x108;
	_ =	swait.ge @!p0 [sflag:s8], $0x0  }
0x24: {  	s3 =	sadd.s32 $0x88, s3;
	s6 =	simm.s32 @!p1 $0x1082;
	[sflag:s4] =	ssyncset.s32 $0xFFFFF086  }
0x25: {  	[simem:s6], [sflag:s4] =	dma.local [hbm:s3], $0xF7A  }
0x26: {  	[smem:$0x3F9D] =	sst s1;
	(tag) =	ssettag s2;
	_ =	strace s9  }
0x27: {  	s1 =	sld [smem:$0x3FAD]  }
0x28: {  	s2 =	sld [smem:$0x3FAE]  }
0x29: {  	s4 =	sld [smem:$0x3FB0]  }
0x2a: {  	p0 =	seq.s32 s5, $0x0;
	s5 =	sld [smem:$0x3FB1]  }
0x2b: {  	s6 =	sld [smem:$0x3FB2]  }
0x2c: {  	s7 =	sld [smem:$0x3FB3]  }
0x2d: {  	s3 =	simm.s32 $0x108;
	s8 =	sld [smem:$0x3FB4]  }
0x2e: {  	s3 =	simm.s32 @!p0 $0x1082;
	s9 =	sld [smem:$0x3FB5]  }
0x2f: {  	lr =	sadd.s32 s0, s3;
	s0 =	sld [smem:$0x3FAC]  }
0x30: {  	s3 =	sld [smem:$0x3FAF]  }
0x31: {  	[smem:$0x3FB8] =	sst s10  }
0x32: {  	s10 =	sld [smem:$0x3FB6];
	_ =	sdelay $0x3  }
0x33: {  	p0 =	seq.s32 s10, $0x1;
	s10 =	sld [smem:$0x3FB8];
	_ =	sdelay $0x3  }
0x34: {  	[smem:$0x3FB8] =	sst s10  }
0x35: {  	s10 =	sld [smem:$0x3FB7];
	_ =	sdelay $0x3  }
0x36: {  	p1 =	seq.s32 s10, $0x1;
	s10 =	sld [smem:$0x3FB8];
	_ =	sdelay $0x3  }
0x37: {  	[smem:$0x3FB8] =	sst s10  }
0x38: {  	s10 =	sld [smem:$0x3FB9]  }
0x39: {  	_ = 	snop;
	(pc) =	sbr.ind lr, $3  }
0x3a: {  	_ = 	snop  }
0x3b: {  	_ = 	snop  }
0x3c: {  	p2 =	seq.s32 s10, $0x1;
	s10 =	sld [smem:$0x3FB8]  }
0x3d: {  	_ =	shalt  }
0x3e: {  	_ =	shalt  }
0x3f: {  	_ =	shalt  }
0x40: {  	_ =	shalt  }
0x41: {  	_ =	shalt  }
0x42: {  	_ =	shalt  }
0x43: {  	_ =	shalt  }
0x44: {  	_ =	shalt  }
0x45: {  	_ =	shalt  }
0x46: {  	_ =	shalt  }
0x47: {  	_ =	shalt  }
0x48: {  	_ =	shalt  }
0x49: {  	_ =	shalt  }
0x4a: {  	_ =	shalt  }
0x4b: {  	_ =	shalt  }
0x4c: {  	_ =	shalt  }
0x4d: {  	_ =	shalt  }
0x4e: {  	_ =	shalt  }
0x4f: {  	_ =	shalt  }
0x50: {  	_ =	shalt  }
0x51: {  	_ =	shalt  }
0x52: {  	_ =	shalt  }
0x53: {  	_ =	shalt  }
0x54: {  	_ =	shalt  }
0x55: {  	_ =	shalt  }
0x56: {  	_ =	shalt  }
0x57: {  	_ =	shalt  }
0x58: {  	_ =	shalt  }
0x59: {  	_ =	shalt  }
0x5a: {  	_ =	shalt  }
0x5b: {  	_ =	shalt  }
0x5c: {  	_ =	shalt  }
0x5d: {  	_ =	shalt  }
0x5e: {  	_ =	shalt  }
0x5f: {  	_ =	shalt  }
0x60: {  	_ =	shalt  }
0x61: {  	_ =	shalt  }
0x62: {  	_ =	shalt  }
0x63: {  	_ =	shalt  }
0x64: {  	_ =	shalt  }
0x65: {  	_ =	shalt  }
0x66: {  	_ =	shalt  }
0x67: {  	_ =	shalt  }
0x68: {  	_ =	shalt  }
0x69: {  	_ =	shalt  }
0x6a: {  	_ =	shalt  }
0x6b: {  	_ =	shalt  }
0x6c: {  	_ =	shalt  }
0x6d: {  	_ =	shalt  }
0x6e: {  	_ =	shalt  }
0x6f: {  	_ =	shalt  }
0x70: {  	_ =	shalt  }
0x71: {  	_ =	shalt  }
0x72: {  	_ =	shalt  }
0x73: {  	_ =	shalt  }
0x74: {  	_ =	shalt  }
0x75: {  	_ =	shalt  }
0x76: {  	_ =	shalt  }
0x77: {  	_ =	shalt  }
0x78: {  	_ =	shalt  }
0x79: {  	_ =	shalt  }
0x7a: {  	_ =	shalt  }
0x7b: {  	_ =	shalt  }
0x7c: {  	_ =	shalt  }
0x7d: {  	_ =	shalt  }
0x7e: {  	_ =	shalt  }
0x7f: {  	_ =	shalt  }
0x80: {  	_ =	shalt  }
0x81: {  	_ =	shalt  }
0x82: {  	_ =	shalt  }
0x83: {  	_ =	shalt  }
0x84: {  	_ =	shalt  }
0x85: {  	_ =	shalt  }
0x86: {  	_ =	shalt  }
0x87: {  	_ =	shalt  }
.Lfunc_end0:
.L_simem_size_0:
called_computation_lowered:
.L_overlay_start_0:
0x88: {  	s2 =	sld [smem:$0x3FD9]  }
0x89: {  	s3 =	sld [smem:$0x3FFE];
	_ =	sdelay $0x1  }
0x8a: {  	s1 =	srdreg.scid  }
0x8b: {  	s0 =	sand.u32 $0x1, s1  }
0x8c: {  	s17 =	sshll.u32 s0, $0xA;
	s2 =	sadd.s32 s3, s2  }
0x8d: {  	s2 =	sadd.s32 s2, s17  }
0x8e: {  	[smem:$0x3FC4] =	sst s2  }
0x8f: {  	_ = 	snop  }
0x90: {  	s2 =	sld [smem:$0x3FC7]  }
0x91: {  	s18 =	sld [smem:$0x3FC6]  }
0x92: {  	s4 =	sld [smem:$0x3FD0];
	(tm) =	ssettm $0x1  }
0x93: {  	s5 =	sld [smem:$0x3FFB];
	_ =	sdelay $0x3  }
0x94: {  	_ =	strace s5  }
0x95: {  	s5 =	sld [smem:$0x3FFC];
	_ =	sdelay $0x3  }
0x96: {  	_ =	strace s5  }
0x97: {  	s5 =	sld [smem:$0x3FFD];
	_ =	sdelay $0x3  }
0x98: {  	_ =	strace s5  }
0x99: {  	_ =	strace $0x8FFFFFFF  }
0x9a: {  	s19 =	sld [smem:$0x3FDB];
	_ =	sdelay $0x1  }
0x9b: {  	s6 =	simm.s32 $_scs_section_size  }
0x9c: {  	s7 =	simm.s32 $_size__tile_overlayer_lowered;
	s8 =	simm.s32 $_tile_overlayer_lowered  }
0x9d: {  	s22 =	simm.s32 $0x1BFF;
	s21 =	sshll.u32 s8, $0x1;
	s5 =	sadd.s32 s6, s19  }
0x9e: {  	s9 =	simm.s32 $0x0;
	s20 =	sshll.u32 s7, $0x1;
	s7 =	sadd.s32 s21, s5  }
0x9f: {  	[timem:s9], [sflag:s22] =	dma.local [hbm:s7], s20  }
0xa0: {  	_ =	swait.ge [sflag:s22], s20  }
0xa1: {  	s6 =	ssub.s32 $0x0, s20;
	[sflag:s22] =	ssyncset.done $0x0  }
0xa2: {  	[sflag:s22] =	ssyncadd.s32 s6;
	_ =	sdelay $0x1  }
0xa3: {  	s23 =	simm.s32 $0x1B8B  }
0xa4: {  	_ =	swait.ge [sflag:s23], $0x1  }
0xa5: {  	[sflag:s23] =	ssyncset.done $0x0  }
0xa6: {  	s25 =	simm.s32 $0x1B8E;
	s24 =	sld [smem:$0x3FFE];
	[sflag:s23] =	ssyncadd.s32 $0xFFFFFFFF  }
0xa7: {  	s26 =	simm.s32 $execute0_lowered;
	[smem:$0x3FD2] =	sst s25  }
0xa8: {  	s7 =	sshll.u32 s26, $0x1;
	_ =	strace $0x80000046;
	[dreg:$0x1] =	wrdreg $0xFFFFFFFF  }
0xa9: {  	s28 =	simm.s32 $_size_execute0_lowered;
	s5 =	sadd.s32 s5, s7;
	[dreg:$0x0] =	wrdreg $0x0  }
0xaa: {  	s7 =	sshll.u32 s28, $0x1;
	[dreg:$0x2] =	wrdreg s5  }
0xab: {  	[dreg:$0x3] =	wrdreg s7  }
0xac: {  	[dreg:$0x4] =	wrdreg $0xC0  }
0xad: {  	_ =	task [dreg:s9], $0x5FFFF  }
0xae: {  	[dreg:$0x1] =	wrdreg $0xFFFFFFFF  }
0xaf: {  	[dreg:$0x0] =	wrdreg $0x60  }
0xb0: {  	[dreg:$0x2] =	wrdreg s24  }
0xb1: {  	[dreg:$0x3] =	wrdreg s2  }
0xb2: {  	[dreg:$0x4] =	wrdreg s18  }
0xb3: {  	[dreg:$0x5] =	wrdreg s4  }
0xb4: {  	[dreg:$0x6] =	wrdreg $0x9  }
0xb5: {  	_ =	task.clear_ibuf [dreg:s9], $0x7FFFF;
	_ =	strace $0x90000046  }
0xb6: {  	s29 =	simm.s32 $0x9;
	_ =	strace $0x80000048  }
0xb7: {  	_ =	swait.ge [sflag:s29], $0x1  }
0xb8: {  	[sflag:s29] =	ssyncadd.s32 $0xFFFFFFFF  }
0xb9: {  	_ =	strace $0x90000048  }
0xba: {  	_ =	sfence  }
0xbb: {  	s30 =	sld [smem:$0x0];
	_ =	sdelay $0x2  }
0xbc: {  	s31 =	sshll.u32 s1, $0xD;
	s1 =	sshrl.u32 s1, $0x2  }
0xbd: {  	s3 =	sand.u32 $0x4000, s31;
	s1 =	sadd.s32 s1, s30  }
0xbe: {  	s0 =	sor.u32 s3, s0;
	s1 =	sshll.u32 s1, $0x11  }
0xbf: {  	s0 =	sor.u32 s1, s0  }
0xc0: {  	s0 =	sadd.s32 $0x8F2B, s0  }
0xc1: {  	[sflag:s0] =	ssyncadd.remote.s32 $0x1  }
0xc2: {  	_ =	sfence.sel $0xFFFF  }
0xc3: {  	[dreg:$0x0] =	wrdreg $0xFFFFFFFF;
	(pc) =	sbr.abs _section_cstart, $3  }
0xc4: {  	[dreg:$0x1] =	wrdreg $0xFFFFFFFF  }
0xc5: {  	_ =	task.clear_ibuf [dreg:s9], $0x2FFFF;
	_ =	strace $0x9FFFFFFF  }
0xc6: {  	(tm) =	ssettm $0x7FFFFFFF  }
0xc7: {  	_ =	shalt  }
tec
execute0_lowered:
.L_overlay_start_1:
0x0: {  	(tag) =	ssettag $0x1  }
0x1: {  	v19 =	vlaneseq.u32  }
0x2: {  	v2 =	vimm.f32 $0.0e+00;
	vm0 =	vcmask $0x1F10;
	v11 =	vimm.s32 $0x7C00  }
0x3: {  	vm1 =	vcmask $0x300;
	vm2 =	vcmask $0x704;
	v12 =	vimm.s32 $0x7C80  }
0x4: {  	v13 =	vimm.s32 $0x7D00;
	v14 =	vimm.s32 $0x7D80;
	v15 =	vimm.s32 $0x7E00  }
0x5: {  	v16 =	vimm.s32 $0x7E80;
	v17 =	vimm.s32 $0x7F00;
	v18 =	vimm.s32 $0x7F80  }
0x6: {  	vm3 =	vcmask $0x3B38;
	v0 =	vshrl.u32 v19, $0x2;
	v1 =	vand.u32 $0x3, v19  }
0x7: {  	v11 =	vsel vm1, $0x4000, v11;
	v12 =	vsel vm1, $0x4080, v12;
	v13 =	vsel vm1, $0x4100, v13  }
0x8: {  	v14 =	vsel vm1, $0x4180, v14;
	v15 =	vsel vm1, $0x4200, v15;
	v16 =	vsel vm1, $0x4280, v16  }
0x9: {  	v17 =	vsel vm1, $0x4300, v17;
	v18 =	vsel vm1, $0x4380, v18;
	vm1 =	vcmask $0xB08  }
0xa: {  	v19 =	vor.u32 $0x1FC, v19;
	v0 =	vmul.u32 $0x400, v0;
	v3 =	vmul.u32 $0x1000, v1  }
0xb: {  	v11 =	vsel vm2, $0x5000, v11;
	v12 =	vsel vm2, $0x5080, v12;
	v13 =	vsel vm2, $0x5100, v13  }
0xc: {  	v14 =	vsel vm2, $0x5180, v14;
	v15 =	vsel vm2, $0x5200, v15;
	v16 =	vsel vm2, $0x5280, v16  }
0xd: {  	v17 =	vsel vm2, $0x5300, v17;
	v18 =	vsel vm2, $0x5380, v18;
	vm2 =	vcmask $0xF0C  }
0xe: {  	v11 =	vsel vm1, $0x6000, v11;
	v12 =	vsel vm1, $0x6080, v12;
	v13 =	vsel vm1, $0x6100, v13  }
0xf: {  	v14 =	vsel vm1, $0x6180, v14;
	v15 =	vsel vm1, $0x6200, v15;
	v16 =	vsel vm1, $0x6280, v16  }
0x10: {  	v17 =	vsel vm1, $0x6300, v17;
	v18 =	vsel vm1, $0x6380, v18;
	vm1 =	vcmask $0x1310  }
0x11: {  	v4 =	vor.u32 $0x80, v0;
	v5 =	vor.u32 $0x100, v0;
	v6 =	vor.u32 $0x180, v0  }
0x12: {  	v7 =	vor.u32 $0x200, v0;
	v8 =	vor.u32 $0x280, v0;
	v9 =	vor.u32 $0x300, v0  }
0x13: {  	v10 =	vor.u32 $0x380, v0;
	v11 =	vsel vm2, $0x7000, v11;
	v12 =	vsel vm2, $0x7080, v12  }
0x14: {  	v13 =	vsel vm2, $0x7100, v13;
	v14 =	vsel vm2, $0x7180, v14;
	v15 =	vsel vm2, $0x7200, v15  }
0x15: {  	v16 =	vsel vm2, $0x7280, v16;
	v17 =	vsel vm2, $0x7300, v17;
	v18 =	vsel vm2, $0x7380, v18  }
0x16: {  	vm2 =	vcmask $0x1714;
	v11 =	vsel vm1, $0x4400, v11;
	v12 =	vsel vm1, $0x4480, v12  }
0x17: {  	v13 =	vsel vm1, $0x4500, v13;
	v14 =	vsel vm1, $0x4580, v14;
	v15 =	vsel vm1, $0x4600, v15  }
0x18: {  	v16 =	vsel vm1, $0x4680, v16;
	v17 =	vsel vm1, $0x4700, v17;
	v18 =	vsel vm1, $0x4780, v18  }
0x19: {  	vm1 =	vcmask $0x1B18;
	v11 =	vsel vm2, $0x5400, v11;
	v12 =	vsel vm2, $0x5480, v12  }
0x1a: {  	v13 =	vsel vm2, $0x5500, v13;
	v14 =	vsel vm2, $0x5580, v14;
	v15 =	vsel vm2, $0x5600, v15  }
0x1b: {  	v16 =	vsel vm2, $0x5680, v16;
	v17 =	vsel vm2, $0x5700, v17;
	v18 =	vsel vm2, $0x5780, v18  }
0x1c: {  	vm2 =	vcmask $0x1F1C;
	v11 =	vsel vm1, $0x6400, v11;
	v12 =	vsel vm1, $0x6480, v12  }
0x1d: {  	v13 =	vsel vm1, $0x6500, v13;
	v14 =	vsel vm1, $0x6580, v14;
	v15 =	vsel vm1, $0x6600, v15  }
0x1e: {  	v16 =	vsel vm1, $0x6680, v16;
	v17 =	vsel vm1, $0x6700, v17;
	v18 =	vsel vm1, $0x6780, v18  }
0x1f: {  	vm1 =	vcmask $0x2320;
	v11 =	vsel vm2, $0x7400, v11;
	v12 =	vsel vm2, $0x7480, v12  }
0x20: {  	v13 =	vsel vm2, $0x7500, v13;
	v14 =	vsel vm2, $0x7580, v14;
	v15 =	vsel vm2, $0x7600, v15  }
0x21: {  	v16 =	vsel vm2, $0x7680, v16;
	v17 =	vsel vm2, $0x7700, v17;
	v18 =	vsel vm2, $0x7780, v18  }
0x22: {  	vm2 =	vcmask $0x2724;
	v11 =	vsel vm1, $0x4800, v11;
	v12 =	vsel vm1, $0x4880, v12  }
0x23: {  	v13 =	vsel vm1, $0x4900, v13;
	v14 =	vsel vm1, $0x4980, v14;
	v15 =	vsel vm1, $0x4A00, v15  }
0x24: {  	v16 =	vsel vm1, $0x4A80, v16;
	v17 =	vsel vm1, $0x4B00, v17;
	v18 =	vsel vm1, $0x4B80, v18  }
0x25: {  	vm1 =	vcmask $0x2B28;
	v11 =	vsel vm2, $0x5800, v11;
	v12 =	vsel vm2, $0x5880, v12  }
0x26: {  	v13 =	vsel vm2, $0x5900, v13;
	v14 =	vsel vm2, $0x5980, v14;
	v15 =	vsel vm2, $0x5A00, v15  }
0x27: {  	v16 =	vsel vm2, $0x5A80, v16;
	v17 =	vsel vm2, $0x5B00, v17;
	v18 =	vsel vm2, $0x5B80, v18  }
0x28: {  	s5 =	rddreg [dreg:$0x0];
	vm2 =	vcmask $0x2F2C;
	v11 =	vsel vm1, $0x6800, v11;
	v12 =	vsel vm1, $0x6880, v12  }
0x29: {  	s2 =	srdreg.scid;
	s1 =	rddreg [dreg:$0x1];
	v13 =	vsel vm1, $0x6900, v13;
	v14 =	vsel vm1, $0x6980, v14;
	v15 =	vsel vm1, $0x6A00, v15  }
0x2a: {  	s0 =	stileid.u32;
	s8 =	rddreg [dreg:$0x3];
	v16 =	vsel vm1, $0x6A80, v16;
	v17 =	vsel vm1, $0x6B00, v17;
	v18 =	vsel vm1, $0x6B80, v18  }
0x2b: {  	s4 =	simm.s32 $0x0;
	s11 =	simm.s32 $0x200;
	s13 =	simm.s32 $0x7A1400;
	vm1 =	vcmask $0x3330;
	v11 =	vsel vm2, $0x7800, v11;
	v12 =	vsel vm2, $0x7880, v12  }
0x2c: {  	s12 =	simm.s32 $0x2;
	s14 =	simm.s32 $0x8400;
	s15 =	simm.s32 $0x1400;
	v13 =	vsel vm2, $0x7900, v13;
	v14 =	vsel vm2, $0x7980, v14;
	v15 =	vsel vm2, $0x7A00, v15  }
0x2d: {  	s16 =	simm.s32 $0x9400;
	s17 =	simm.s32 $0x2400;
	s18 =	simm.s32 $0xA400;
	v16 =	vsel vm2, $0x7A80, v16;
	v17 =	vsel vm2, $0x7B00, v17;
	v18 =	vsel vm2, $0x7B80, v18  }
0x2e: {  	s19 =	simm.s32 $0x3400;
	s20 =	simm.s32 $0xB400;
	s21 =	simm.s32 $0x1;
	vm2 =	vcmask $0x3734;
	v11 =	vsel vm1, $0x4C00, v11;
	v12 =	vsel vm1, $0x4C80, v12  }
0x2f: {  	s22 =	simm.s32 $0x10400;
	s6 =	sand.u32 $0x1, s2;
	s2 =	rddreg [dreg:$0x2];
	v13 =	vsel vm1, $0x4D00, v13;
	v14 =	vsel vm1, $0x4D80, v14;
	v15 =	vsel vm1, $0x4E00, v15  }
0x30: {  	s23 =	simm.s32 $0x0;
	s3 =	sshll.u32 s0, $0x1;
	[smem:$0x7FF] =	sst s4;
	v16 =	vsel vm1, $0x4E80, v16;
	v17 =	vsel vm1, $0x4F00, v17;
	v18 =	vsel vm1, $0x4F80, v18  }
0x31: {  	s9 =	sshll.u32 s0, $0x7;
	s7 =	sor.u32 s6, s3;
	s3 =	rddreg [dreg:$0x4];
	vm1 =	vcmask $0x2F20;
	v11 =	vsel vm2, $0x5C00, v11;
	v12 =	vsel vm2, $0x5C80, v12  }
0x32: {  	s6 =	ssub.s32 $0x2, s6;
	_ =	strace $0x80000047;
	s10 =	sshll.u32 s7, $0x4;
	v13 =	vsel vm2, $0x5D00, v13;
	v14 =	vsel vm2, $0x5D80, v14;
	v15 =	vsel vm2, $0x5E00, v15  }
0x33: {  	s30 =	sshrl.u32 s6, $0x1;
	s7 =	sshll.u32 s7, $0x6;
	s9 =	sor.u32 s9, s10;
	v16 =	vsel vm2, $0x5E80, v16;
	v17 =	vsel vm2, $0x5F00, v17;
	v18 =	vsel vm2, $0x5F80, v18  }
0x34: {  	s31 =	ssub.s32 s6, s30;
	s7 =	sadd.s32 s8, s7;
	s9 =	sand.u32 $0x670, s9;
	vm2 =	vcmask $0x3F30;
	v11 =	vsel vm3, $0x6C00, v11;
	v12 =	vsel vm3, $0x6C80, v12  }
0x35: {  	s10 =	simm.s32 $0x400;
	s8 =	smax.u32 s31, $0x1;
	s9 =	sadd.s32 s9, s5;
	v13 =	vsel vm3, $0x6D00, v13;
	v14 =	vsel vm3, $0x6D80, v14;
	v15 =	vsel vm3, $0x6E00, v15  }
0x36: {  	s5 =	sadd.s32 $0x400, s9;
	s6 =	sadd.s32 $0xC00, s9;
	s9 =	simm.s32 $0x80;
	v16 =	vsel vm3, $0x6E80, v16;
	v17 =	vsel vm3, $0x6F00, v17;
	v18 =	vsel vm3, $0x6F80, v18  }
.LBB2_1:
0x37: {  	[tilespmem:s4], [sflag:$0x2] =	stream.strided.gather [hbm4b:s5+s9], $0x200, s10, s9, $0x38;
	[tilespmem:$0x10600] =	vst v63  }
0x38: {  	_ =	swait.ge [sflag:s12], $0x200  }
0x39: {  	[sflag:s12] =	ssyncset.done $0x0  }
0x3a: {  	[sflag:s12] =	ssyncadd.s32 $0xFFFFFE00  }
0x3b: {  	[tilespmem:s11], [sflag:$0x2] =	stream.strided.gather [hbm4b:s6+s9], $0x200, s10, s9, $0x38;
	[tilespmem:$0x10600] =	vst v63  }
0x3c: {  	_ =	swait.ge [sflag:s12], $0x200  }
0x3d: {  	[sflag:s12] =	ssyncset.done $0x0  }
0x3e: {  	[sflag:s12] =	ssyncadd.s32 $0xFFFFFE00  }
0x3f: {  	[tilespmem:$0x10400] =	vst v2  }
0x40: {  	[tilespmem:$0x10410] =	vst v2  }
0x41: {  	[tilespmem:$0x10420] =	vst v2  }
0x42: {  	[tilespmem:$0x10430] =	vst v2  }
0x43: {  	[tilespmem:$0x10440] =	vst v2  }
0x44: {  	[tilespmem:$0x10450] =	vst v2  }
0x45: {  	[tilespmem:$0x10460] =	vst v2  }
0x46: {  	[tilespmem:$0x10470] =	vst v2  }
0x47: {  	[tilespmem:$0x10480] =	vst v2  }
0x48: {  	[tilespmem:$0x10490] =	vst v2  }
0x49: {  	[tilespmem:$0x104A0] =	vst v2  }
0x4a: {  	[tilespmem:$0x104B0] =	vst v2  }
0x4b: {  	[tilespmem:$0x104C0] =	vst v2  }
0x4c: {  	[tilespmem:$0x104D0] =	vst v2  }
0x4d: {  	[tilespmem:$0x104E0] =	vst v2  }
0x4e: {  	[tilespmem:$0x104F0] =	vst v2  }
0x4f: {  	[tilespmem:$0x10500] =	vst v2  }
0x50: {  	[tilespmem:$0x10510] =	vst v2  }
0x51: {  	[tilespmem:$0x10520] =	vst v2  }
0x52: {  	[tilespmem:$0x10530] =	vst v2  }
0x53: {  	[tilespmem:$0x10540] =	vst v2  }
0x54: {  	[tilespmem:$0x10550] =	vst v2  }
0x55: {  	[tilespmem:$0x10560] =	vst v2  }
0x56: {  	[tilespmem:$0x10570] =	vst v2  }
0x57: {  	[tilespmem:$0x10580] =	vst v2  }
0x58: {  	[tilespmem:$0x10590] =	vst v2  }
0x59: {  	[tilespmem:$0x105A0] =	vst v2  }
0x5a: {  	[tilespmem:$0x105B0] =	vst v2  }
0x5b: {  	[tilespmem:$0x105C0] =	vst v2  }
0x5c: {  	[tilespmem:$0x105D0] =	vst v2  }
0x5d: {  	[tilespmem:$0x105E0] =	vst v2  }
0x5e: {  	[tilespmem:$0x105F0] =	vst v2  }
0x5f: {  	v20 =	vld.idx.msk [tilespmem:v1+s4+$0x0], $0xffff;
	_ =	sdelay $0x1  }
0x60: {  	v21 =	vld.idx.msk [tilespmem:v1+s11+$0x0], $0xffff;
	_ =	sdelay $0x2  }
0x61: {  	v20 =	vand.u32 $0xFFFFFF80, v20  }
0x62: {  	v20 =	vadd.s32 s1, v20  }
0x63: {  	v21 =	vand.u32 $0xFFFFFF80, v21;
	(v2sf) =	vpush v20, $0x0  }
0x64: {  	v21 =	vadd.s32 s2, v21  }
0x65: {  	(v2sf) =	vpush v21, $0x0;
	_ =	sdelay $0x1  }
0x66: {  	(v2sf) =	vpush v20, $0x1;
	_ =	sdelay $0x1  }
0x67: {  	(v2sf) =	vpush v21, $0x1;
	_ =	sdelay $0x1  }
0x68: {  	(v2sf) =	vpush v20, $0x2;
	_ =	sdelay $0x1  }
0x69: {  	(v2sf) =	vpush v21, $0x2;
	_ =	sdelay $0x1  }
0x6a: {  	(v2sf) =	vpush v20, $0x3;
	_ =	sdelay $0x1  }
0x6b: {  	(v2sf) =	vpush v21, $0x3  }
0x6c: {  	s24 =	spop (v2sf)  }
0x6d: {  	[tilespmem:s10], [sflag:$0x1] =	stream.strided.gather [hbm4b:s24+s10], $0x1000, s13, s10, $0x38;
	[tilespmem:$0x10600] =	vst v63  }
0x6e: {  	s30 =	spop (v2sf)  }
0x6f: {  	[tilespmem:s14], [sflag:$0x1] =	stream.strided.gather [hbm4b:s30+s10], $0x1000, s13, s10, $0x38;
	[tilespmem:$0x10600] =	vst v63  }
0x70: {  	s31 =	spop (v2sf)  }
0x71: {  	[tilespmem:s15], [sflag:$0x1] =	stream.strided.gather [hbm4b:s31+s10], $0x1000, s13, s10, $0x38;
	[tilespmem:$0x10600] =	vst v63  }
0x72: {  	s25 =	spop (v2sf)  }
0x73: {  	[tilespmem:s16], [sflag:$0x1] =	stream.strided.gather [hbm4b:s25+s10], $0x1000, s13, s10, $0x38;
	[tilespmem:$0x10600] =	vst v63  }
0x74: {  	s26 =	spop (v2sf)  }
0x75: {  	[tilespmem:s17], [sflag:$0x1] =	stream.strided.gather [hbm4b:s26+s10], $0x1000, s13, s10, $0x38;
	[tilespmem:$0x10600] =	vst v63  }
0x76: {  	s24 =	simm.s32 $0x4;
	s25 =	spop (v2sf)  }
0x77: {  	v20 =	vor.u32 s24, v1;
	[tilespmem:s18], [sflag:$0x1] =	stream.strided.gather [hbm4b:s25+s10], $0x1000, s13, s10, $0x38;
	[tilespmem:$0x10600] =	vst v63  }
0x78: {  	s28 =	spop (v2sf)  }
0x79: {  	[tilespmem:s19], [sflag:$0x1] =	stream.strided.gather [hbm4b:s28+s10], $0x1000, s13, s10, $0x38;
	[tilespmem:$0x10600] =	vst v63  }
0x7a: {  	s29 =	spop (v2sf)  }
0x7b: {  	[tilespmem:s20], [sflag:$0x1] =	stream.strided.gather [hbm4b:s29+s10], $0x1000, s13, s10, $0x38;
	[tilespmem:$0x10600] =	vst v63  }
0x7c: {  	v21 =	vld.idx.msk [tilespmem:v20+s4+$0x0], $0xffff;
	_ =	sdelay $0x1  }
0x7d: {  	v20 =	vld.idx.msk [tilespmem:v20+s11+$0x0], $0xffff;
	_ =	sdelay $0x2  }
0x7e: {  	v21 =	vand.u32 $0xFFFFFF80, v21  }
0x7f: {  	v21 =	vadd.s32 s1, v21  }
0x80: {  	v20 =	vand.u32 $0xFFFFFF80, v20;
	(v2sf) =	vpush v21, $0x0  }
0x81: {  	v20 =	vadd.s32 s2, v20  }
0x82: {  	(v2sf) =	vpush v20, $0x0;
	_ =	sdelay $0x1  }
0x83: {  	(v2sf) =	vpush v21, $0x1;
	_ =	sdelay $0x1  }
0x84: {  	(v2sf) =	vpush v20, $0x1;
	_ =	sdelay $0x1  }
0x85: {  	(v2sf) =	vpush v21, $0x2;
	_ =	sdelay $0x1  }
0x86: {  	(v2sf) =	vpush v20, $0x2;
	_ =	sdelay $0x1  }
0x87: {  	(v2sf) =	vpush v21, $0x3  }
0x88: {  	s25 =	simm.s32 $0x4000  }
0x89: {  	s26 =	sand.u32 $0x4000, s25;
	(v2sf) =	vpush v20, $0x3  }
0x8a: {  	s28 =	sor.u32 $0x400, s26;
	s29 =	spop (v2sf)  }
0x8b: {  	[tilespmem:s28], [sflag:$0x1] =	stream.strided.gather [hbm4b:s29+s10], $0x1000, s13, s10, $0x38;
	[tilespmem:$0x10600] =	vst v63  }
0x8c: {  	s30 =	sor.u32 $0x8400, s26;
	s31 =	spop (v2sf)  }
0x8d: {  	[tilespmem:s30], [sflag:$0x1] =	stream.strided.gather [hbm4b:s31+s10], $0x1000, s13, s10, $0x38;
	[tilespmem:$0x10600] =	vst v63  }
0x8e: {  	s30 =	sor.u32 $0x1400, s26;
	s31 =	spop (v2sf)  }
0x8f: {  	[tilespmem:s30], [sflag:$0x1] =	stream.strided.gather [hbm4b:s31+s10], $0x1000, s13, s10, $0x38;
	[tilespmem:$0x10600] =	vst v63  }
0x90: {  	s30 =	sor.u32 $0x9400, s26;
	s31 =	spop (v2sf)  }
0x91: {  	[tilespmem:s30], [sflag:$0x1] =	stream.strided.gather [hbm4b:s31+s10], $0x1000, s13, s10, $0x38;
	[tilespmem:$0x10600] =	vst v63  }
0x92: {  	s30 =	sor.u32 $0x2400, s26;
	s31 =	spop (v2sf)  }
0x93: {  	[tilespmem:s30], [sflag:$0x1] =	stream.strided.gather [hbm4b:s31+s10], $0x1000, s13, s10, $0x38;
	[tilespmem:$0x10600] =	vst v63  }
0x94: {  	s30 =	sor.u32 $0xA400, s26;
	s31 =	spop (v2sf)  }
0x95: {  	[tilespmem:s30], [sflag:$0x1] =	stream.strided.gather [hbm4b:s31+s10], $0x1000, s13, s10, $0x38;
	[tilespmem:$0x10600] =	vst v63  }
0x96: {  	s30 =	sor.u32 $0x3400, s26;
	s31 =	spop (v2sf)  }
0x97: {  	[tilespmem:s30], [sflag:$0x1] =	stream.strided.gather [hbm4b:s31+s10], $0x1000, s13, s10, $0x38;
	[tilespmem:$0x10600] =	vst v63  }
0x98: {  	s26 =	sor.u32 $0xB400, s26;
	s30 =	spop (v2sf)  }
0x99: {  	[tilespmem:s26], [sflag:$0x1] =	stream.strided.gather [hbm4b:s30+s10], $0x1000, s13, s10, $0x38;
	[tilespmem:$0x10600] =	vst v63  }
0x9a: {  	_ =	swait.ge [sflag:s21], $0x1000  }
0x9b: {  	[sflag:s21] =	ssyncset.done $0x0  }
0x9c: {  	[sflag:s21] =	ssyncadd.s32 $0xFFFFF000  }
0x9d: {  	_ =	swait.ge [sflag:s21], $0x1000  }
0x9e: {  	[sflag:s21] =	ssyncset.done $0x0  }
0x9f: {  	[sflag:s21] =	ssyncadd.s32 $0xFFFFF000  }
0xa0: {  	_ =	swait.ge [sflag:s21], $0x1000  }
0xa1: {  	[sflag:s21] =	ssyncset.done $0x0  }
0xa2: {  	[sflag:s21] =	ssyncadd.s32 $0xFFFFF000  }
0xa3: {  	_ =	swait.ge [sflag:s21], $0x1000  }
0xa4: {  	[sflag:s21] =	ssyncset.done $0x0  }
0xa5: {  	[sflag:s21] =	ssyncadd.s32 $0xFFFFF000  }
0xa6: {  	_ =	swait.ge [sflag:s21], $0x1000  }
0xa7: {  	[sflag:s21] =	ssyncset.done $0x0  }
0xa8: {  	[sflag:s21] =	ssyncadd.s32 $0xFFFFF000  }
0xa9: {  	_ =	swait.ge [sflag:s21], $0x1000  }
0xaa: {  	[sflag:s21] =	ssyncset.done $0x0  }
0xab: {  	[sflag:s21] =	ssyncadd.s32 $0xFFFFF000  }
0xac: {  	_ =	swait.ge [sflag:s21], $0x1000  }
0xad: {  	v20 =	vor.u32 s4, v1;
	[sflag:s21] =	ssyncset.done $0x0  }
0xae: {  	[sflag:s21] =	ssyncadd.s32 $0xFFFFF000  }
0xaf: {  	_ =	swait.ge [sflag:s21], $0x1000  }
0xb0: {  	[sflag:s21] =	ssyncset.done $0x0  }
0xb1: {  	[sflag:s21] =	ssyncadd.s32 $0xFFFFF000  }
0xb2: {  	v21 =	vld.idx.msk [tilespmem:v20+s4+$0x0], $0xffff  }
0xb3: {  	s31 =	sand.u32 $0x4, s4;
	v22 =	vld.idx.msk [tilespmem:v20+s11+$0x0], $0xffff  }
0xb4: {  	v23 =	vmov s31  }
0xb5: {  	v23 =	vshll.u32 v23, $0xC  }
0xb6: {  	v23 =	vor.u32 v3, v23  }
0xb7: {  	v24 =	vor.u32 v0, v23;
	v21 =	vand.u32 $0x7F, v21  }
0xb8: {  	v22 =	vand.u32 $0x7F, v22;
	v25 =	vor.u32 v24, v21  }
0xb9: {  	v26 =	vor.u32 v4, v23;
	v24 =	vor.u32 v24, v22  }
0xba: {  	v27 =	vor.u32 v26, v22  }
0xbb: {  	v28 =	vor.u32 v5, v23;
	v26 =	vor.u32 v26, v21  }
0xbc: {  	v29 =	vor.u32 v28, v21  }
0xbd: {  	v30 =	vor.u32 v6, v23;
	v28 =	vor.u32 v28, v22;
	v25 =	vld.idx.msk [tilespmem:v25+s10+$0x0], $0xffff  }
0xbe: {  	v31 =	vor.u32 v30, v21;
	v24 =	vld.idx.msk [tilespmem:v24+s14+$0x0], $0xffff  }
0xbf: {  	v32 =	vor.u32 v7, v23;
	v30 =	vor.u32 v30, v22;
	v27 =	vld.idx.msk [tilespmem:v27+s14+$0x0], $0xffff  }
0xc0: {  	v33 =	vor.u32 v32, v21;
	v26 =	vld.idx.msk [tilespmem:v26+s10+$0x0], $0xffff  }
0xc1: {  	v34 =	vor.u32 v8, v23;
	v32 =	vor.u32 v32, v22;
	v29 =	vld.idx.msk [tilespmem:v29+s10+$0x0], $0xffff  }
0xc2: {  	v35 =	vor.u32 v34, v21;
	v28 =	vld.idx.msk [tilespmem:v28+s14+$0x0], $0xffff  }
0xc3: {  	v36 =	vor.u32 v9, v23;
	v34 =	vor.u32 v34, v22;
	v31 =	vld.idx.msk [tilespmem:v31+s10+$0x0], $0xffff;
	v24 =	vmul.f32 v24, v25  }
0xc4: {  	v23 =	vor.u32 v10, v23;
	v30 =	vld.idx.msk [tilespmem:v30+s14+$0x0], $0xffff;
	v25 =	vor.u32 v36, v21  }
0xc5: {  	v33 =	vld.idx.msk [tilespmem:v33+s10+$0x0], $0xffff;
	v36 =	vor.u32 v36, v22;
	v26 =	vmul.f32 v27, v26;
	v24 =	vadd.f32 $0.0e+00, v24  }
0xc6: {  	v27 =	vld.idx.msk [tilespmem:v32+s14+$0x0], $0xffff;
	v21 =	vor.u32 v23, v21  }
0xc7: {  	v61 =	vld.idx.msk [tilespmem:v35+s10+$0x0], $0xffff;
	v22 =	vor.u32 v23, v22;
	v24 =	vadd.f32 v26, v24;
	v26 =	vmul.f32 v28, v29  }
0xc8: {  	v62 =	vld.idx.msk [tilespmem:v34+s14+$0x0], $0xffff  }
0xc9: {  	v25 =	vld.idx.msk [tilespmem:v25+s10+$0x0], $0xffff;
	v24 =	vadd.f32 v26, v24;
	v26 =	vmul.f32 v30, v31  }
0xca: {  	v63 =	vld.idx.msk [tilespmem:v36+s14+$0x0], $0xffff  }
0xcb: {  	v21 =	vld.idx.msk [tilespmem:v21+s10+$0x0], $0xffff;
	v23 =	vadd.f32 v26, v24;
	v24 =	vmul.f32 v27, v33  }
0xcc: {  	v22 =	vld.idx.msk [tilespmem:v22+s14+$0x0], $0xffff  }
0xcd: {  	v23 =	vadd.f32 v24, v23;
	v24 =	vmul.f32 v62, v61;
	_ =	sdelay $0x1  }
0xce: {  	v23 =	vadd.f32 v24, v23;
	v24 =	vmul.f32 v63, v25  }
.LBB2_2:
0xcf: {  	p0 =	sne.s32 s24, $0x1F8;
	s26 =	smov.u32 s24;
	s24 =	sadd.s32 $0x4, s24  }
0xd0: {  	v21 =	vmul.f32 v22, v21;
	v25 =	vor.u32 s24, v1;
	v23 =	vadd.f32 v24, v23;
	_ =	sdelay $0x1  }
0xd1: {  	v21 =	vadd.f32 v21, v23;
	_ =	sdelay $0x1  }
0xd2: {  	[tilespmem:v20+s22+$0x0] =	vst.idx.add.f32.msk $0xf, v21  }
0xd3: {  	[tilespmem:v20+s22+$0x0] =	vst.idx.add.f32.msk vm0, v21  }
0xd4: {  	[tilespmem:v20+s22+$0x0] =	vst.idx.add.f32.msk vm1, v21  }
0xd5: {  	[tilespmem:v20+s22+$0x0] =	vst.idx.add.f32.msk vm2, v21  }
0xd6: {  	v20 =	vld.idx.msk [tilespmem:v25+s4+$0x0], $0xffff;
	_ =	sdelay $0x1  }
0xd7: {  	v21 =	vld.idx.msk [tilespmem:v25+s11+$0x0], $0xffff;
	_ =	sdelay $0x3  }
0xd8: {  	v20 =	vand.u32 $0xFFFFFF80, v20  }
0xd9: {  	v20 =	vadd.s32 s1, v20  }
0xda: {  	v21 =	vand.u32 $0xFFFFFF80, v21;
	(v2sf) =	vpush v20, $0x0  }
0xdb: {  	v21 =	vadd.s32 s2, v21  }
0xdc: {  	(v2sf) =	vpush v21, $0x0;
	_ =	sdelay $0x1  }
0xdd: {  	(v2sf) =	vpush v20, $0x1;
	_ =	sdelay $0x1  }
0xde: {  	(v2sf) =	vpush v21, $0x1;
	_ =	sdelay $0x1  }
0xdf: {  	(v2sf) =	vpush v20, $0x2;
	_ =	sdelay $0x1  }
0xe0: {  	s25 =	sadd.s32 $0x4000, s25;
	(v2sf) =	vpush v21, $0x2  }
0xe1: {  	s28 =	sand.u32 $0x4000, s25  }
0xe2: {  	s29 =	sor.u32 $0x400, s28;
	(v2sf) =	vpush v20, $0x3;
	_ =	sdelay $0x1  }
0xe3: {  	(v2sf) =	vpush v21, $0x3  }
0xe4: {  	s30 =	spop (v2sf)  }
0xe5: {  	[tilespmem:s29], [sflag:$0x1] =	stream.strided.gather [hbm4b:s30+s10], $0x1000, s13, s10, $0x38;
	[tilespmem:$0x10600] =	vst v63  }
0xe6: {  	s29 =	sor.u32 $0x8400, s28;
	s30 =	spop (v2sf)  }
0xe7: {  	[tilespmem:s29], [sflag:$0x1] =	stream.strided.gather [hbm4b:s30+s10], $0x1000, s13, s10, $0x38;
	[tilespmem:$0x10600] =	vst v63  }
0xe8: {  	s29 =	sor.u32 $0x1400, s28;
	s30 =	spop (v2sf)  }
0xe9: {  	[tilespmem:s29], [sflag:$0x1] =	stream.strided.gather [hbm4b:s30+s10], $0x1000, s13, s10, $0x38;
	[tilespmem:$0x10600] =	vst v63  }
0xea: {  	s29 =	sor.u32 $0x9400, s28;
	s30 =	spop (v2sf)  }
0xeb: {  	[tilespmem:s29], [sflag:$0x1] =	stream.strided.gather [hbm4b:s30+s10], $0x1000, s13, s10, $0x38;
	[tilespmem:$0x10600] =	vst v63  }
0xec: {  	s29 =	sor.u32 $0x2400, s28;
	s30 =	spop (v2sf)  }
0xed: {  	[tilespmem:s29], [sflag:$0x1] =	stream.strided.gather [hbm4b:s30+s10], $0x1000, s13, s10, $0x38;
	[tilespmem:$0x10600] =	vst v63  }
0xee: {  	s29 =	sor.u32 $0xA400, s28;
	s30 =	spop (v2sf)  }
0xef: {  	[tilespmem:s29], [sflag:$0x1] =	stream.strided.gather [hbm4b:s30+s10], $0x1000, s13, s10, $0x38;
	[tilespmem:$0x10600] =	vst v63  }
0xf0: {  	s29 =	sor.u32 $0x3400, s28;
	s30 =	spop (v2sf)  }
0xf1: {  	[tilespmem:s29], [sflag:$0x1] =	stream.strided.gather [hbm4b:s30+s10], $0x1000, s13, s10, $0x38;
	[tilespmem:$0x10600] =	vst v63  }
0xf2: {  	s28 =	sor.u32 $0xB400, s28;
	s29 =	spop (v2sf)  }
0xf3: {  	[tilespmem:s28], [sflag:$0x1] =	stream.strided.gather [hbm4b:s29+s10], $0x1000, s13, s10, $0x38;
	[tilespmem:$0x10600] =	vst v63  }
0xf4: {  	_ =	swait.ge [sflag:s21], $0x1000  }
0xf5: {  	[sflag:s21] =	ssyncset.done $0x0  }
0xf6: {  	[sflag:s21] =	ssyncadd.s32 $0xFFFFF000  }
0xf7: {  	_ =	swait.ge [sflag:s21], $0x1000  }
0xf8: {  	[sflag:s21] =	ssyncset.done $0x0  }
0xf9: {  	[sflag:s21] =	ssyncadd.s32 $0xFFFFF000  }
0xfa: {  	_ =	swait.ge [sflag:s21], $0x1000  }
0xfb: {  	[sflag:s21] =	ssyncset.done $0x0  }
0xfc: {  	[sflag:s21] =	ssyncadd.s32 $0xFFFFF000  }
0xfd: {  	_ =	swait.ge [sflag:s21], $0x1000  }
0xfe: {  	[sflag:s21] =	ssyncset.done $0x0  }
0xff: {  	[sflag:s21] =	ssyncadd.s32 $0xFFFFF000  }
0x100: {  	_ =	swait.ge [sflag:s21], $0x1000  }
0x101: {  	[sflag:s21] =	ssyncset.done $0x0  }
0x102: {  	[sflag:s21] =	ssyncadd.s32 $0xFFFFF000  }
0x103: {  	_ =	swait.ge [sflag:s21], $0x1000  }
0x104: {  	v20 =	vor.u32 s26, v1;
	[sflag:s21] =	ssyncset.done $0x0  }
0x105: {  	[sflag:s21] =	ssyncadd.s32 $0xFFFFF000  }
0x106: {  	_ =	swait.ge [sflag:s21], $0x1000  }
0x107: {  	[sflag:s21] =	ssyncset.done $0x0  }
0x108: {  	[sflag:s21] =	ssyncadd.s32 $0xFFFFF000  }
0x109: {  	_ =	swait.ge [sflag:s21], $0x1000  }
0x10a: {  	[sflag:s21] =	ssyncset.done $0x0  }
0x10b: {  	s26 =	sand.u32 $0x4, s26;
	[sflag:s21] =	ssyncadd.s32 $0xFFFFF000  }
0x10c: {  	v22 =	vmov s26;
	v21 =	vld.idx.msk [tilespmem:v20+s4+$0x0], $0xffff  }
0x10d: {  	v22 =	vshll.u32 v22, $0xC;
	v23 =	vld.idx.msk [tilespmem:v20+s11+$0x0], $0xffff  }
0x10e: {  	v22 =	vor.u32 v3, v22  }
0x10f: {  	v24 =	vor.u32 v0, v22;
	v25 =	vor.u32 v8, v22  }
0x110: {  	v26 =	vor.u32 v9, v22  }
0x111: {  	v27 =	vor.u32 v4, v22;
	v28 =	vor.u32 v7, v22;
	v29 =	vor.u32 v10, v22  }
0x112: {  	v30 =	vor.u32 v5, v22;
	v22 =	vor.u32 v6, v22;
	v21 =	vand.u32 $0x7F, v21  }
0x113: {  	v23 =	vand.u32 $0x7F, v23;
	v31 =	vor.u32 v24, v21;
	v32 =	vor.u32 v27, v21  }
0x114: {  	v24 =	vor.u32 v24, v23;
	v27 =	vor.u32 v27, v23;
	v33 =	vor.u32 v30, v23  }
0x115: {  	v34 =	vor.u32 v22, v21;
	v30 =	vor.u32 v30, v21;
	v22 =	vor.u32 v22, v23  }
0x116: {  	v35 =	vor.u32 v28, v21;
	v28 =	vor.u32 v28, v23;
	v36 =	vor.u32 v25, v23  }
0x117: {  	v37 =	vor.u32 v26, v21;
	v25 =	vor.u32 v25, v21;
	v26 =	vor.u32 v26, v23  }
0x118: {  	v21 =	vor.u32 v29, v21;
	v23 =	vor.u32 v29, v23;
	v31 =	vld.idx.msk [tilespmem:v31+s10+$0x0], $0xffff  }
0x119: {  	v24 =	vld.idx.msk [tilespmem:v24+s14+$0x0], $0xffff  }
0x11a: {  	v27 =	vld.idx.msk [tilespmem:v27+s14+$0x0], $0xffff  }
0x11b: {  	v29 =	vld.idx.msk [tilespmem:v32+s10+$0x0], $0xffff  }
0x11c: {  	v30 =	vld.idx.msk [tilespmem:v30+s10+$0x0], $0xffff  }
0x11d: {  	v32 =	vld.idx.msk [tilespmem:v33+s14+$0x0], $0xffff  }
0x11e: {  	v33 =	vld.idx.msk [tilespmem:v34+s10+$0x0], $0xffff  }
0x11f: {  	v24 =	vmul.f32 v24, v31;
	v22 =	vld.idx.msk [tilespmem:v22+s14+$0x0], $0xffff  }
0x120: {  	v31 =	vld.idx.msk [tilespmem:v35+s10+$0x0], $0xffff  }
0x121: {  	v24 =	vadd.f32 $0.0e+00, v24;
	v27 =	vmul.f32 v27, v29;
	v28 =	vld.idx.msk [tilespmem:v28+s14+$0x0], $0xffff  }
0x122: {  	v25 =	vld.idx.msk [tilespmem:v25+s10+$0x0], $0xffff  }
0x123: {  	v24 =	vadd.f32 v27, v24;
	v27 =	vmul.f32 v32, v30;
	v29 =	vld.idx.msk [tilespmem:v36+s14+$0x0], $0xffff  }
0x124: {  	v30 =	vld.idx.msk [tilespmem:v37+s10+$0x0], $0xffff  }
0x125: {  	v24 =	vadd.f32 v27, v24;
	v22 =	vmul.f32 v22, v33;
	v26 =	vld.idx.msk [tilespmem:v26+s14+$0x0], $0xffff  }
0x126: {  	v21 =	vld.idx.msk [tilespmem:v21+s10+$0x0], $0xffff  }
.Ltmp0:
0x127: {  	v24 =	vadd.f32 v22, v24;
	v27 =	vmul.f32 v28, v31;
	v22 =	vld.idx.msk [tilespmem:v23+s14+$0x0], $0xffff;
	(pc) =	sbr.rel @p0 .LBB2_2-.Ltmp0, $3  }
0x128: {  	_ = 	snop  }
0x129: {  	v23 =	vadd.f32 v27, v24;
	v24 =	vmul.f32 v29, v25;
	_ =	sdelay $0x1  }
0x12a: {  	v23 =	vadd.f32 v24, v23;
	v24 =	vmul.f32 v26, v30  }
0x12b: {  	_ = 	snop  }
0x12c: {  	v21 =	vmul.f32 v22, v21;
	v23 =	vadd.f32 v24, v23;
	_ =	sdelay $0x1  }
0x12d: {  	v21 =	vadd.f32 v21, v23;
	_ =	sdelay $0x1  }
0x12e: {  	[tilespmem:v20+s22+$0x0] =	vst.idx.add.f32.msk $0xf, v21  }
0x12f: {  	[tilespmem:v20+s22+$0x0] =	vst.idx.add.f32.msk vm0, v21  }
0x130: {  	[tilespmem:v20+s22+$0x0] =	vst.idx.add.f32.msk vm1, v21  }
0x131: {  	[tilespmem:v20+s22+$0x0] =	vst.idx.add.f32.msk vm2, v21  }
0x132: {  	_ =	swait.ge [sflag:s21], $0x1000  }
0x133: {  	[sflag:s21] =	ssyncset.done $0x0  }
0x134: {  	[sflag:s21] =	ssyncadd.s32 $0xFFFFF000  }
0x135: {  	_ =	swait.ge [sflag:s21], $0x1000  }
0x136: {  	[sflag:s21] =	ssyncset.done $0x0  }
0x137: {  	[sflag:s21] =	ssyncadd.s32 $0xFFFFF000  }
0x138: {  	_ =	swait.ge [sflag:s21], $0x1000  }
0x139: {  	[sflag:s21] =	ssyncset.done $0x0  }
0x13a: {  	[sflag:s21] =	ssyncadd.s32 $0xFFFFF000  }
0x13b: {  	_ =	swait.ge [sflag:s21], $0x1000  }
0x13c: {  	[sflag:s21] =	ssyncset.done $0x0  }
0x13d: {  	[sflag:s21] =	ssyncadd.s32 $0xFFFFF000  }
0x13e: {  	_ =	swait.ge [sflag:s21], $0x1000  }
0x13f: {  	[sflag:s21] =	ssyncset.done $0x0  }
0x140: {  	[sflag:s21] =	ssyncadd.s32 $0xFFFFF000  }
0x141: {  	_ =	swait.ge [sflag:s21], $0x1000  }
0x142: {  	[sflag:s21] =	ssyncset.done $0x0  }
0x143: {  	[sflag:s21] =	ssyncadd.s32 $0xFFFFF000  }
0x144: {  	_ =	swait.ge [sflag:s21], $0x1000  }
0x145: {  	[sflag:s21] =	ssyncset.done $0x0  }
0x146: {  	[sflag:s21] =	ssyncadd.s32 $0xFFFFF000  }
0x147: {  	_ =	swait.ge [sflag:s21], $0x1000  }
0x148: {  	[sflag:s21] =	ssyncset.done $0x0  }
0x149: {  	[sflag:s21] =	ssyncadd.s32 $0xFFFFF000  }
0x14a: {  	v20 =	vld.idx.msk [tilespmem:v19+s4+$0x0], $0xffff  }
0x14b: {  	v48 =	vld.idx.msk [tilespmem:v19+s11+$0x0], $0xffff;
	_ =	sdelay $0x3  }
0x14c: {  	v20 =	vand.u32 $0x7F, v20  }
0x14d: {  	v21 =	vand.u32 $0x7F, v48;
	v49 =	vor.u32 v11, v20  }
0x14e: {  	v50 =	vor.u32 v11, v21  }
0x14f: {  	v51 =	vor.u32 v12, v20  }
0x150: {  	v25 =	vor.u32 v12, v21  }
0x151: {  	v26 =	vor.u32 v13, v20  }
0x152: {  	v27 =	vor.u32 v13, v21;
	v22 =	vld.idx.msk [tilespmem:v49+s10+$0x0], $0xffff  }
0x153: {  	v28 =	vor.u32 v14, v20;
	v23 =	vld.idx.msk [tilespmem:v50+s14+$0x0], $0xffff  }
0x154: {  	v29 =	vor.u32 v14, v21;
	v24 =	vld.idx.msk [tilespmem:v51+s10+$0x0], $0xffff  }
0x155: {  	v30 =	vor.u32 v15, v20;
	v25 =	vld.idx.msk [tilespmem:v25+s14+$0x0], $0xffff  }
0x156: {  	v31 =	vor.u32 v15, v21;
	v26 =	vld.idx.msk [tilespmem:v26+s10+$0x0], $0xffff  }
0x157: {  	v32 =	vor.u32 v16, v20;
	v27 =	vld.idx.msk [tilespmem:v27+s14+$0x0], $0xffff  }
0x158: {  	v53 =	vor.u32 v16, v21;
	v52 =	vld.idx.msk [tilespmem:v28+s10+$0x0], $0xffff;
	v22 =	vmul.f32 v23, v22  }
0x159: {  	v33 =	vor.u32 v17, v20;
	v29 =	vld.idx.msk [tilespmem:v29+s14+$0x0], $0xffff  }
0x15a: {  	v55 =	vor.u32 v17, v21;
	v54 =	vld.idx.msk [tilespmem:v30+s10+$0x0], $0xffff;
	v24 =	vmul.f32 v25, v24;
	v22 =	vadd.f32 $0.0e+00, v22  }
0x15b: {  	v20 =	vor.u32 v18, v20;
	v31 =	vld.idx.msk [tilespmem:v31+s14+$0x0], $0xffff  }
0x15c: {  	v21 =	vor.u32 v18, v21;
	v57 =	vld.idx.msk [tilespmem:v32+s10+$0x0], $0xffff;
	v56 =	vmul.f32 v27, v26;
	v22 =	vadd.f32 v24, v22  }
0x15d: {  	v58 =	vld.idx.msk [tilespmem:v53+s14+$0x0], $0xffff  }
0x15e: {  	v59 =	vld.idx.msk [tilespmem:v33+s10+$0x0], $0xffff;
	v23 =	vmul.f32 v29, v52;
	v22 =	vadd.f32 v56, v22  }
0x15f: {  	v60 =	vld.idx.msk [tilespmem:v55+s14+$0x0], $0xffff  }
0x160: {  	v20 =	vld.idx.msk [tilespmem:v20+s10+$0x0], $0xffff;
	v61 =	vmul.f32 v31, v54;
	v22 =	vadd.f32 v23, v22  }
0x161: {  	v21 =	vld.idx.msk [tilespmem:v21+s14+$0x0], $0xffff  }
0x162: {  	v62 =	vmul.f32 v58, v57;
	v22 =	vadd.f32 v61, v22;
	_ =	sdelay $0x1  }
0x163: {  	v63 =	vmul.f32 v60, v59;
	v22 =	vadd.f32 v62, v22;
	_ =	sdelay $0x1  }
0x164: {  	v20 =	vmul.f32 v21, v20;
	v22 =	vadd.f32 v63, v22;
	_ =	sdelay $0x1  }
0x165: {  	v20 =	vadd.f32 v20, v22;
	_ =	sdelay $0x1  }
0x166: {  	[tilespmem:v19+s22+$0x0] =	vst.idx.add.f32.msk $0xf, v20  }
0x167: {  	s23 =	sadd.s32 $0x1, s23;
	[tilespmem:v19+s22+$0x0] =	vst.idx.add.f32.msk vm0, v20  }
0x168: {  	p0 =	sne.s32 s23, s8;
	[tilespmem:v19+s22+$0x0] =	vst.idx.add.f32.msk vm1, v20  }
.Ltmp1:
0x169: {  	[tilespmem:v19+s22+$0x0] =	vst.idx.add.f32.msk vm2, v20;
	(pc) =	sbr.rel @p0 .LBB2_1-.Ltmp1, $4  }
0x16a: {  	[hbm4b:s7+s4] =	stream.linear.scatter [tilespmem:s22], [sflag:$0x2], $0x200, $0x38;
	[tilespmem:$0x10600] =	vst v63  }
0x16b: {  	_ =	swait.ge [sflag:s12], $0x200  }
0x16c: {  	[sflag:s12] =	ssyncset.done $0x0  }
0x16d: {  	[sflag:s12] =	ssyncadd.s32 $0xFFFFFE00  }
0x16e: {  	_ =	sfence.sel $0x180000  }
0x16f: {  	[bflag:$0x0] =	sbarrier.arrive $0xFFFF  }
0x170: {  	p0 =	sne.s32 s0, $0x0;
	_ =	strace $0x90000047  }
0x171: {  	s0 =	sadd.s32 @!p0 $0x100000, s3;
	[bflag:$0x2] =	sbarrier.arrive $0xFFFF  }
0x172: {  	[sflag:s0] =	ssyncadd.tile.s32 @!p0 $0x1;
	_ =	shalt  }
.Lfunc_end2:
_tile_overlayer_lowered:
.L_overlay_start_2:
0x173: {  	(tag) =	ssettag $0x2  }
0x174: {  	s0 =	rddreg [dreg:$0x0];
	s2 =	stileid.u32  }
0x175: {  	s1 =	rddreg [dreg:$0x1];
	p0 =	sne.s32 s2, $0x0  }
0x176: {  	s3 =	rddreg [dreg:$0x2];
	[bflag:$0x3] =	sbarrier.arrive $0xFFFF;
	s2 =	simm.s32 @!p0 $0x1C02  }
0x177: {  	[timem:s3], [sflag:s2] =	dma.local @!p0 [hbm:s0], s1  }
0x178: {  	s0 =	simm.s32 @!p0 $0x2  }
0x179: {  	_ =	swait.ge @!p0 [sflag:s0], s1  }
0x17a: {  	s1 =	ssub.s32 @!p0 $0x0, s1;
	[sflag:s0] =	ssyncset.done @!p0 $0x0  }
0x17b: {  	[sflag:s0] =	ssyncadd.s32 @!p0 s1  }
0x17c: {  	[bflag:$0x3] =	sbarrier.arrive $0xFFFF  }
0x17d: {  	_ =	shalt  }

</sc_bundles>
